<compile_context>
chip_gen: v7x
topology: tpu7x:2x2x1
jax: 0.10.2.dev20260603
libtpu: 0.0.44.dev20260713+nightly
codegen_flags: <defaults>
</compile_context>

<pallas_src>
import functools

import jax
import jax.numpy as jnp
from jax import lax
from jax.experimental import pallas as pl
from jax.experimental.pallas import tpu as pltpu
from jax.experimental.pallas import tpu_sc as plsc

VOCAB = 1000000
EMB = 64
OUT = 128
B = 16384
L = 200

NC = 2
NS = 16
NW = NC * NS
BLK = 128
KPW = B // (NW * BLK)
NBUF = 2
HALVES = 1

_mesh = plsc.VectorSubcoreMesh(
    core_axis_name="c", subcore_axis_name="s", num_cores=NC, num_subcores=NS
)


@functools.partial(
    pl.kernel,
    out_type=jax.ShapeDtypeStruct((B, EMB), jnp.float32),
    mesh=_mesh,
    scratch_types=[
        pltpu.VMEM((BLK * L,), jnp.int32),
        pltpu.VMEM((NBUF, BLK), jnp.int32),
        pltpu.VMEM((NBUF, BLK, EMB), jnp.float32),
        pltpu.VMEM((BLK, EMB), jnp.float32),
        [pltpu.SemaphoreType.DMA] * NBUF,
    ],
    compiler_params=pltpu.CompilerParams(
        use_tc_tiling_on_sc=False, needs_layout_passes=False
    ),
)
def _pooled_sums(x_hbm, table_hbm, out_hbm, xv, idx_v, rows_v, accum_v, sems):
    wid = lax.axis_index("s") * NC + lax.axis_index("c")

    def _build_idx(bb, l):
        lane = lax.iota(jnp.int32, 16) * L + l
        for c in range(BLK // 16):
            vals = plsc.load_gather(xv, [lane + c * 16 * L])
            idx_v[bb, pl.ds(c * 16, 16)] = vals

    def _block(k, carry):
        blk = wid * KPW + k
        pltpu.sync_copy(x_hbm.at[pl.ds(blk * BLK * L, BLK * L)], xv)

        def _fire(bb):
            for h in range(HALVES):
                hw = BLK // HALVES
                pltpu.async_copy(
                    table_hbm.at[idx_v.at[bb, pl.ds(h * hw, hw)]],
                    rows_v.at[bb, pl.ds(h * hw, hw)],
                    sems[bb],
                )

        for bb in range(NBUF):
            _build_idx(bb, bb)
            _fire(bb)

        @plsc.parallel_loop(0, BLK, 1, unroll=8)
        def _zero(i):
            zero = jnp.zeros((16,), jnp.float32)
            for cc in range(EMB // 16):
                accum_v[i, pl.ds(cc * 16, 16)] = zero

        def _acc_slab(bb_rows):
            def _acc(i, c2):
                for cc in range(EMB // 16):
                    plsc.addupdate(
                        accum_v.at[i, pl.ds(cc * 16, 16)],
                        bb_rows[i, pl.ds(cc * 16, 16)],
                    )
                return c2

            lax.fori_loop(0, BLK, _acc, 0, unroll=8)

        def _step(m, carry2):
            for bb in range(NBUF):
                l = m * NBUF + bb
                pltpu.make_async_copy(
                    table_hbm.at[pl.ds(0, BLK)], rows_v.at[bb], sems[bb]
                ).wait()
                _acc_slab(rows_v.at[bb])
                l_next = jnp.minimum(l + NBUF, L - 1)
                _build_idx(bb, l_next)
                _fire(bb)
            return carry2

        lax.fori_loop(0, L // NBUF, _step, 0)

        for bb in range(NBUF):
            pltpu.make_async_copy(
                table_hbm.at[pl.ds(0, BLK)], rows_v.at[bb], sems[bb]
            ).wait()

        pltpu.sync_copy(accum_v, out_hbm.at[pl.ds(blk * BLK, BLK)])
        return carry

    lax.fori_loop(0, KPW, _block, 0)


def _project(pooled, W, b):
    BS = 1024

    def body(p_ref, w_ref, b_ref, o_ref):
        o_ref[...] = (
            jnp.dot(p_ref[...], w_ref[...], preferred_element_type=jnp.float32)
            * (1.0 / L)
            + b_ref[...]
        )

    return pl.pallas_call(
        body,
        grid=(B // BS,),
        in_specs=[
            pl.BlockSpec((BS, EMB), lambda i: (i, 0)),
            pl.BlockSpec((EMB, OUT), lambda i: (0, 0)),
            pl.BlockSpec((1, OUT), lambda i: (0, 0)),
        ],
        out_specs=pl.BlockSpec((BS, OUT), lambda i: (i, 0)),
        out_shape=jax.ShapeDtypeStruct((B, OUT), jnp.float32),
    )(pooled, W, b.reshape(1, OUT))


def kernel(x, table, W, b):
    x_flat = x.astype(jnp.int32).reshape(B * L)
    pooled = _pooled_sums(x_flat, table)
    return _project(pooled, W, b)

# --- scband reference (transcript-rebuilt; emitter-appended) ---
"""Pipeline reference for scband-text-encoder-9758165697045 (READ-ONLY COPY).

The authoritative reference and input builder live on the scoring server;
editing this copy changes nothing except your own understanding.
"""

import jax, jax.numpy as jnp
import numpy as np

VOCAB = 1000000
EMB = 64
OUT = 128
B = 16384
L = 200

def setup_inputs(seed: int = 0) -> dict:
    key = jax.random.key(seed)
    k1, k2, k3, k4 = jax.random.split(key, 4)
    x = jax.random.randint(k1, (B, L), 0, VOCAB, dtype=jnp.int64)
    table = jax.random.normal(k2, (VOCAB, EMB), dtype=jnp.float32)
    W = jax.random.normal(k3, (EMB, OUT), dtype=jnp.float32) * (1.0 / np.sqrt(EMB))
    b = jax.random.normal(k4, (OUT,), dtype=jnp.float32) * 0.01
    return {"x": x, "table": table, "W": W, "b": b}

def reference(x, table, W, b):
    # embedding lookup: gather rows from table
    embeds = jnp.take(table, x, axis=0)          # [B, L, EMB]
    text_repr = jnp.mean(embeds, axis=1)          # [B, EMB]
    out = text_repr @ W + b                       # [B, OUT]
    return out

if __name__ == "__main__":
    import jax
    _d = setup_inputs()
    print(jax.jit(kernel)(*tuple(_d.values())))

</pallas_src>

<mosaic_0001>
#map = affine_map<(d0, d1) -> (0)>
#map1 = affine_map<(d0, d1) -> (0, 0)>
module attributes {stable_mosaic.version = 14 : i64} {
  func.func @_pooled_sums(%arg0: i32, %arg1: i32, %arg2: memref<3276800xi32, #tpu.memory_space<hbm>>, %arg3: memref<1000000x64xf32, #tpu.memory_space<hbm>>, %arg4: memref<16384x64xf32, #tpu.memory_space<hbm>>, %arg5: memref<25600xi32, #tpu.memory_space<vmem>>, %arg6: memref<2x128xi32, #tpu.memory_space<vmem>>, %arg7: memref<2x128x64xf32, #tpu.memory_space<vmem>>, %arg8: memref<128x64xf32, #tpu.memory_space<vmem>>, %arg9: memref<!tpu.dma_semaphore, #tpu.memory_space<semaphore_mem>>, %arg10: memref<!tpu.dma_semaphore, #tpu.memory_space<semaphore_mem>>) attributes {dimension_semantics = [#tpu.dimension_semantics<core_parallel>, #tpu.dimension_semantics<subcore_parallel>], iteration_bounds = array<i64: 2, 16>, scalar_prefetch = 0 : i64, scratch_operands = 6 : i64, tpu.core_type = #tpu.core_type<sc_vector_subcore>, window_params = [{transform_indices = #map}, {transform_indices = #map1}, {transform_indices = #map1}]} {
    %mul3A = arith.constant 2 : i32
    %mul3A_0 = arith.muli %arg1, %mul3A : i32
    %add3A = arith.addi %mul3A_0, %arg0 : i32
    %scan3A = arith.constant 0 : i32
    %scan3A_1 = arith.constant 0 : i32
    %scan3A_2 = arith.constant 4 : i32
    %scan3A_3 = arith.addi %scan3A_1, %scan3A_2 : i32
    %scan3A_4 = arith.constant 1 : i32
    scf.for %scan3A_6 = %scan3A_1 to %scan3A_3 step %scan3A_4  : i32 {
      %mul3A_7 = arith.constant 4 : i32
      %mul3A_8 = arith.muli %add3A, %mul3A_7 : i32
      %add3A_9 = arith.addi %mul3A_8, %scan3A_6 : i32
      %mul3A_10 = arith.constant 128 : i32
      %mul3A_11 = arith.muli %add3A_9, %mul3A_10 : i32
      %mul3A_12 = arith.constant 200 : i32
      %mul3A_13 = arith.muli %mul3A_11, %mul3A_12 : i32
      "tpu.region"() ({
        %run_scoped3A = tpu.sem_alloc : memref<!tpu.dma_semaphore, #tpu.memory_space<semaphore_mem>>
        %dma_start3A_215 = tpu.memref_slice %arg2[%mul3A_13] : memref<3276800xi32, #tpu.memory_space<hbm>> -> memref<25600xi32, #tpu.memory_space<hbm>>
        %dma_start3A_216 = tpu.memref_slice %arg2[%mul3A_13] : memref<3276800xi32, #tpu.memory_space<hbm>> -> memref<25600xi32, #tpu.memory_space<hbm>>
        tpu.enqueue_dma source(%dma_start3A_216 : memref<25600xi32, #tpu.memory_space<hbm>>) target(%arg5 : memref<25600xi32, #tpu.memory_space<vmem>>) target_semaphore(%run_scoped3A : memref<!tpu.dma_semaphore, #tpu.memory_space<semaphore_mem>>)
        %dma_wait3A_217 = tpu.memref_slice %arg2[%mul3A_13] : memref<3276800xi32, #tpu.memory_space<hbm>> -> memref<25600xi32, #tpu.memory_space<hbm>>
        %dma_wait3A_218 = tpu.memref_slice %arg2[%mul3A_13] : memref<3276800xi32, #tpu.memory_space<hbm>> -> memref<25600xi32, #tpu.memory_space<hbm>>
        tpu.wait_dma2 semaphore(%run_scoped3A : memref<!tpu.dma_semaphore, #tpu.memory_space<semaphore_mem>>) src(%dma_wait3A_218 : memref<25600xi32, #tpu.memory_space<hbm>>) dst(%arg5 : memref<25600xi32, #tpu.memory_space<vmem>>)
        tpu.yield
      }) : () -> ()
      %iota3A = tpu.iota {dimensions = array<i32: 0>} : vector<16xi32>
      %mul3A_14 = arith.constant 200 : i32
      %mul3A_15 = vector.broadcast %mul3A_14 : i32 to vector<16xi32>
      %mul3A_16 = arith.muli %iota3A, %mul3A_15 : vector<16xi32>
      %add3A_17 = arith.constant 0 : i32
      %add3A_18 = vector.broadcast %add3A_17 : i32 to vector<16xi32>
      %add3A_19 = arith.addi %mul3A_16, %add3A_18 : vector<16xi32>
      %add3A_20 = arith.constant 0 : i32
      %add3A_21 = vector.broadcast %add3A_20 : i32 to vector<16xi32>
      %add3A_22 = arith.addi %add3A_19, %add3A_21 : vector<16xi32>
      %gather3A = tpu.vector_load_idx %arg5[%add3A_22] : memref<25600xi32, #tpu.memory_space<vmem>>[vector<16xi32>], vector<16xi32>,
      %swap3A = arith.constant 0 : i32
      %swap3A_23 = arith.index_cast %swap3A : i32 to index
      %swap3A_24 = arith.constant 0 : index
      %swap3A_25 = tpu.vector_load %arg6[%swap3A_23, %swap3A_24] {strides = array<i32>} : memref<2x128xi32, #tpu.memory_space<vmem>>, vector<16xi32>,
      tpu.vector_store %arg6[%swap3A_23, %swap3A_24], %gather3A {strides = array<i32>} : memref<2x128xi32, #tpu.memory_space<vmem>>, vector<16xi32>,
      %add3A_26 = arith.constant 3200 : i32
      %add3A_27 = vector.broadcast %add3A_26 : i32 to vector<16xi32>
      %add3A_28 = arith.addi %add3A_19, %add3A_27 : vector<16xi32>
      %gather3A_29 = tpu.vector_load_idx %arg5[%add3A_28] : memref<25600xi32, #tpu.memory_space<vmem>>[vector<16xi32>], vector<16xi32>,
      %swap3A_30 = arith.constant 0 : i32
      %swap3A_31 = arith.index_cast %swap3A_30 : i32 to index
      %swap3A_32 = arith.constant 16 : index
      %swap3A_33 = tpu.vector_load %arg6[%swap3A_31, %swap3A_32] {strides = array<i32>} : memref<2x128xi32, #tpu.memory_space<vmem>>, vector<16xi32>,
      tpu.vector_store %arg6[%swap3A_31, %swap3A_32], %gather3A_29 {strides = array<i32>} : memref<2x128xi32, #tpu.memory_space<vmem>>, vector<16xi32>,
      %add3A_34 = arith.constant 6400 : i32
      %add3A_35 = vector.broadcast %add3A_34 : i32 to vector<16xi32>
      %add3A_36 = arith.addi %add3A_19, %add3A_35 : vector<16xi32>
      %gather3A_37 = tpu.vector_load_idx %arg5[%add3A_36] : memref<25600xi32, #tpu.memory_space<vmem>>[vector<16xi32>], vector<16xi32>,
      %swap3A_38 = arith.constant 0 : i32
      %swap3A_39 = arith.index_cast %swap3A_38 : i32 to index
      %swap3A_40 = arith.constant 32 : index
      %swap3A_41 = tpu.vector_load %arg6[%swap3A_39, %swap3A_40] {strides = array<i32>} : memref<2x128xi32, #tpu.memory_space<vmem>>, vector<16xi32>,
      tpu.vector_store %arg6[%swap3A_39, %swap3A_40], %gather3A_37 {strides = array<i32>} : memref<2x128xi32, #tpu.memory_space<vmem>>, vector<16xi32>,
      %add3A_42 = arith.constant 9600 : i32
      %add3A_43 = vector.broadcast %add3A_42 : i32 to vector<16xi32>
      %add3A_44 = arith.addi %add3A_19, %add3A_43 : vector<16xi32>
      %gather3A_45 = tpu.vector_load_idx %arg5[%add3A_44] : memref<25600xi32, #tpu.memory_space<vmem>>[vector<16xi32>], vector<16xi32>,
      %swap3A_46 = arith.constant 0 : i32
      %swap3A_47 = arith.index_cast %swap3A_46 : i32 to index
      %swap3A_48 = arith.constant 48 : index
      %swap3A_49 = tpu.vector_load %arg6[%swap3A_47, %swap3A_48] {strides = array<i32>} : memref<2x128xi32, #tpu.memory_space<vmem>>, vector<16xi32>,
      tpu.vector_store %arg6[%swap3A_47, %swap3A_48], %gather3A_45 {strides = array<i32>} : memref<2x128xi32, #tpu.memory_space<vmem>>, vector<16xi32>,
      %add3A_50 = arith.constant 12800 : i32
      %add3A_51 = vector.broadcast %add3A_50 : i32 to vector<16xi32>
      %add3A_52 = arith.addi %add3A_19, %add3A_51 : vector<16xi32>
      %gather3A_53 = tpu.vector_load_idx %arg5[%add3A_52] : memref<25600xi32, #tpu.memory_space<vmem>>[vector<16xi32>], vector<16xi32>,
      %swap3A_54 = arith.constant 0 : i32
      %swap3A_55 = arith.index_cast %swap3A_54 : i32 to index
      %swap3A_56 = arith.constant 64 : index
      %swap3A_57 = tpu.vector_load %arg6[%swap3A_55, %swap3A_56] {strides = array<i32>} : memref<2x128xi32, #tpu.memory_space<vmem>>, vector<16xi32>,
      tpu.vector_store %arg6[%swap3A_55, %swap3A_56], %gather3A_53 {strides = array<i32>} : memref<2x128xi32, #tpu.memory_space<vmem>>, vector<16xi32>,
      %add3A_58 = arith.constant 16000 : i32
      %add3A_59 = vector.broadcast %add3A_58 : i32 to vector<16xi32>
      %add3A_60 = arith.addi %add3A_19, %add3A_59 : vector<16xi32>
      %gather3A_61 = tpu.vector_load_idx %arg5[%add3A_60] : memref<25600xi32, #tpu.memory_space<vmem>>[vector<16xi32>], vector<16xi32>,
      %swap3A_62 = arith.constant 0 : i32
      %swap3A_63 = arith.index_cast %swap3A_62 : i32 to index
      %swap3A_64 = arith.constant 80 : index
      %swap3A_65 = tpu.vector_load %arg6[%swap3A_63, %swap3A_64] {strides = array<i32>} : memref<2x128xi32, #tpu.memory_space<vmem>>, vector<16xi32>,
      tpu.vector_store %arg6[%swap3A_63, %swap3A_64], %gather3A_61 {strides = array<i32>} : memref<2x128xi32, #tpu.memory_space<vmem>>, vector<16xi32>,
      %add3A_66 = arith.constant 19200 : i32
      %add3A_67 = vector.broadcast %add3A_66 : i32 to vector<16xi32>
      %add3A_68 = arith.addi %add3A_19, %add3A_67 : vector<16xi32>
      %gather3A_69 = tpu.vector_load_idx %arg5[%add3A_68] : memref<25600xi32, #tpu.memory_space<vmem>>[vector<16xi32>], vector<16xi32>,
      %swap3A_70 = arith.constant 0 : i32
      %swap3A_71 = arith.index_cast %swap3A_70 : i32 to index
      %swap3A_72 = arith.constant 96 : index
      %swap3A_73 = tpu.vector_load %arg6[%swap3A_71, %swap3A_72] {strides = array<i32>} : memref<2x128xi32, #tpu.memory_space<vmem>>, vector<16xi32>,
      tpu.vector_store %arg6[%swap3A_71, %swap3A_72], %gather3A_69 {strides = array<i32>} : memref<2x128xi32, #tpu.memory_space<vmem>>, vector<16xi32>,
      %add3A_74 = arith.constant 22400 : i32
      %add3A_75 = vector.broadcast %add3A_74 : i32 to vector<16xi32>
      %add3A_76 = arith.addi %add3A_19, %add3A_75 : vector<16xi32>
      %gather3A_77 = tpu.vector_load_idx %arg5[%add3A_76] : memref<25600xi32, #tpu.memory_space<vmem>>[vector<16xi32>], vector<16xi32>,
      %swap3A_78 = arith.constant 0 : i32
      %swap3A_79 = arith.index_cast %swap3A_78 : i32 to index
      %swap3A_80 = arith.constant 112 : index
      %swap3A_81 = tpu.vector_load %arg6[%swap3A_79, %swap3A_80] {strides = array<i32>} : memref<2x128xi32, #tpu.memory_space<vmem>>, vector<16xi32>,
      tpu.vector_store %arg6[%swap3A_79, %swap3A_80], %gather3A_77 {strides = array<i32>} : memref<2x128xi32, #tpu.memory_space<vmem>>, vector<16xi32>,
      %dma_start3A = arith.constant 0 : i32
      %dma_start3A_82 = arith.constant 0 : i32
      %dma_start3A_83 = arith.constant 0 : i32
      %dma_start3A_84 = arith.constant 0 : i32
      %dma_start3A_85 = tpu.memref_slice %arg7[%dma_start3A_82, %dma_start3A_83, %dma_start3A_84] : memref<2x128x64xf32, #tpu.memory_space<vmem>> -> memref<1x128x64xf32, #tpu.memory_space<vmem>>
      %dma_start3A_86 = tpu.memref_squeeze %dma_start3A_85 : memref<1x128x64xf32, #tpu.memory_space<vmem>> -> memref<128x64xf32, #tpu.memory_space<vmem>>
      %dma_start3A_87 = arith.constant 0 : i32
      %dma_start3A_88 = tpu.memref_slice %arg6[%dma_start3A, %dma_start3A_87] : memref<2x128xi32, #tpu.memory_space<vmem>> -> memref<1x128xi32, #tpu.memory_space<vmem>>
      %dma_start3A_89 = tpu.memref_squeeze %dma_start3A_88 : memref<1x128xi32, #tpu.memory_space<vmem>> -> memref<128xi32, #tpu.memory_space<vmem>>
      %dma_start3A_90 = arith.constant 0 : i32
      %dma_start3A_91 = arith.constant 0 : i32
      %dma_start3A_92 = tpu.memref_slice %arg3[%dma_start3A_90, %dma_start3A_91] : memref<1000000x64xf32, #tpu.memory_space<hbm>> -> memref<1000000x64xf32, #tpu.memory_space<hbm>>
      tpu.enqueue_indirect_dma source(%dma_start3A_92 : memref<1000000x64xf32, #tpu.memory_space<hbm>>) target(%dma_start3A_86 : memref<128x64xf32, #tpu.memory_space<vmem>>) offsets(%dma_start3A_89 : memref<128xi32, #tpu.memory_space<vmem>>) semaphore(%arg9 : memref<!tpu.dma_semaphore, #tpu.memory_space<semaphore_mem>>)
      %iota3A_93 = tpu.iota {dimensions = array<i32: 0>} : vector<16xi32>
      %mul3A_94 = arith.constant 200 : i32
      %mul3A_95 = vector.broadcast %mul3A_94 : i32 to vector<16xi32>
      %mul3A_96 = arith.muli %iota3A_93, %mul3A_95 : vector<16xi32>
      %add3A_97 = arith.constant 1 : i32
      %add3A_98 = vector.broadcast %add3A_97 : i32 to vector<16xi32>
      %add3A_99 = arith.addi %mul3A_96, %add3A_98 : vector<16xi32>
      %add3A_100 = arith.constant 0 : i32
      %add3A_101 = vector.broadcast %add3A_100 : i32 to vector<16xi32>
      %add3A_102 = arith.addi %add3A_99, %add3A_101 : vector<16xi32>
      %gather3A_103 = tpu.vector_load_idx %arg5[%add3A_102] : memref<25600xi32, #tpu.memory_space<vmem>>[vector<16xi32>], vector<16xi32>,
      %swap3A_104 = arith.constant 1 : i32
      %swap3A_105 = arith.index_cast %swap3A_104 : i32 to index
      %swap3A_106 = arith.constant 0 : index
      %swap3A_107 = tpu.vector_load %arg6[%swap3A_105, %swap3A_106] {strides = array<i32>} : memref<2x128xi32, #tpu.memory_space<vmem>>, vector<16xi32>,
      tpu.vector_store %arg6[%swap3A_105, %swap3A_106], %gather3A_103 {strides = array<i32>} : memref<2x128xi32, #tpu.memory_space<vmem>>, vector<16xi32>,
      %add3A_108 = arith.constant 3200 : i32
      %add3A_109 = vector.broadcast %add3A_108 : i32 to vector<16xi32>
      %add3A_110 = arith.addi %add3A_99, %add3A_109 : vector<16xi32>
      %gather3A_111 = tpu.vector_load_idx %arg5[%add3A_110] : memref<25600xi32, #tpu.memory_space<vmem>>[vector<16xi32>], vector<16xi32>,
      %swap3A_112 = arith.constant 1 : i32
      %swap3A_113 = arith.index_cast %swap3A_112 : i32 to index
      %swap3A_114 = arith.constant 16 : index
      %swap3A_115 = tpu.vector_load %arg6[%swap3A_113, %swap3A_114] {strides = array<i32>} : memref<2x128xi32, #tpu.memory_space<vmem>>, vector<16xi32>,
      tpu.vector_store %arg6[%swap3A_113, %swap3A_114], %gather3A_111 {strides = array<i32>} : memref<2x128xi32, #tpu.memory_space<vmem>>, vector<16xi32>,
      %add3A_116 = arith.constant 6400 : i32
      %add3A_117 = vector.broadcast %add3A_116 : i32 to vector<16xi32>
      %add3A_118 = arith.addi %add3A_99, %add3A_117 : vector<16xi32>
      %gather3A_119 = tpu.vector_load_idx %arg5[%add3A_118] : memref<25600xi32, #tpu.memory_space<vmem>>[vector<16xi32>], vector<16xi32>,
      %swap3A_120 = arith.constant 1 : i32
      %swap3A_121 = arith.index_cast %swap3A_120 : i32 to index
      %swap3A_122 = arith.constant 32 : index
      %swap3A_123 = tpu.vector_load %arg6[%swap3A_121, %swap3A_122] {strides = array<i32>} : memref<2x128xi32, #tpu.memory_space<vmem>>, vector<16xi32>,
      tpu.vector_store %arg6[%swap3A_121, %swap3A_122], %gather3A_119 {strides = array<i32>} : memref<2x128xi32, #tpu.memory_space<vmem>>, vector<16xi32>,
      %add3A_124 = arith.constant 9600 : i32
      %add3A_125 = vector.broadcast %add3A_124 : i32 to vector<16xi32>
      %add3A_126 = arith.addi %add3A_99, %add3A_125 : vector<16xi32>
      %gather3A_127 = tpu.vector_load_idx %arg5[%add3A_126] : memref<25600xi32, #tpu.memory_space<vmem>>[vector<16xi32>], vector<16xi32>,
      %swap3A_128 = arith.constant 1 : i32
      %swap3A_129 = arith.index_cast %swap3A_128 : i32 to index
      %swap3A_130 = arith.constant 48 : index
      %swap3A_131 = tpu.vector_load %arg6[%swap3A_129, %swap3A_130] {strides = array<i32>} : memref<2x128xi32, #tpu.memory_space<vmem>>, vector<16xi32>,
      tpu.vector_store %arg6[%swap3A_129, %swap3A_130], %gather3A_127 {strides = array<i32>} : memref<2x128xi32, #tpu.memory_space<vmem>>, vector<16xi32>,
      %add3A_132 = arith.constant 12800 : i32
      %add3A_133 = vector.broadcast %add3A_132 : i32 to vector<16xi32>
      %add3A_134 = arith.addi %add3A_99, %add3A_133 : vector<16xi32>
      %gather3A_135 = tpu.vector_load_idx %arg5[%add3A_134] : memref<25600xi32, #tpu.memory_space<vmem>>[vector<16xi32>], vector<16xi32>,
      %swap3A_136 = arith.constant 1 : i32
      %swap3A_137 = arith.index_cast %swap3A_136 : i32 to index
      %swap3A_138 = arith.constant 64 : index
      %swap3A_139 = tpu.vector_load %arg6[%swap3A_137, %swap3A_138] {strides = array<i32>} : memref<2x128xi32, #tpu.memory_space<vmem>>, vector<16xi32>,
      tpu.vector_store %arg6[%swap3A_137, %swap3A_138], %gather3A_135 {strides = array<i32>} : memref<2x128xi32, #tpu.memory_space<vmem>>, vector<16xi32>,
      %add3A_140 = arith.constant 16000 : i32
      %add3A_141 = vector.broadcast %add3A_140 : i32 to vector<16xi32>
      %add3A_142 = arith.addi %add3A_99, %add3A_141 : vector<16xi32>
      %gather3A_143 = tpu.vector_load_idx %arg5[%add3A_142] : memref<25600xi32, #tpu.memory_space<vmem>>[vector<16xi32>], vector<16xi32>,
      %swap3A_144 = arith.constant 1 : i32
      %swap3A_145 = arith.index_cast %swap3A_144 : i32 to index
      %swap3A_146 = arith.constant 80 : index
      %swap3A_147 = tpu.vector_load %arg6[%swap3A_145, %swap3A_146] {strides = array<i32>} : memref<2x128xi32, #tpu.memory_space<vmem>>, vector<16xi32>,
      tpu.vector_store %arg6[%swap3A_145, %swap3A_146], %gather3A_143 {strides = array<i32>} : memref<2x128xi32, #tpu.memory_space<vmem>>, vector<16xi32>,
      %add3A_148 = arith.constant 19200 : i32
      %add3A_149 = vector.broadcast %add3A_148 : i32 to vector<16xi32>
      %add3A_150 = arith.addi %add3A_99, %add3A_149 : vector<16xi32>
      %gather3A_151 = tpu.vector_load_idx %arg5[%add3A_150] : memref<25600xi32, #tpu.memory_space<vmem>>[vector<16xi32>], vector<16xi32>,
      %swap3A_152 = arith.constant 1 : i32
      %swap3A_153 = arith.index_cast %swap3A_152 : i32 to index
      %swap3A_154 = arith.constant 96 : index
      %swap3A_155 = tpu.vector_load %arg6[%swap3A_153, %swap3A_154] {strides = array<i32>} : memref<2x128xi32, #tpu.memory_space<vmem>>, vector<16xi32>,
      tpu.vector_store %arg6[%swap3A_153, %swap3A_154], %gather3A_151 {strides = array<i32>} : memref<2x128xi32, #tpu.memory_space<vmem>>, vector<16xi32>,
      %add3A_156 = arith.constant 22400 : i32
      %add3A_157 = vector.broadcast %add3A_156 : i32 to vector<16xi32>
      %add3A_158 = arith.addi %add3A_99, %add3A_157 : vector<16xi32>
      %gather3A_159 = tpu.vector_load_idx %arg5[%add3A_158] : memref<25600xi32, #tpu.memory_space<vmem>>[vector<16xi32>], vector<16xi32>,
      %swap3A_160 = arith.constant 1 : i32
      %swap3A_161 = arith.index_cast %swap3A_160 : i32 to index
      %swap3A_162 = arith.constant 112 : index
      %swap3A_163 = tpu.vector_load %arg6[%swap3A_161, %swap3A_162] {strides = array<i32>} : memref<2x128xi32, #tpu.memory_space<vmem>>, vector<16xi32>,
      tpu.vector_store %arg6[%swap3A_161, %swap3A_162], %gather3A_159 {strides = array<i32>} : memref<2x128xi32, #tpu.memory_space<vmem>>, vector<16xi32>,
      %dma_start3A_164 = arith.constant 1 : i32
      %dma_start3A_165 = arith.constant 1 : i32
      %dma_start3A_166 = arith.constant 0 : i32
      %dma_start3A_167 = arith.constant 0 : i32
      %dma_start3A_168 = tpu.memref_slice %arg7[%dma_start3A_165, %dma_start3A_166, %dma_start3A_167] : memref<2x128x64xf32, #tpu.memory_space<vmem>> -> memref<1x128x64xf32, #tpu.memory_space<vmem>>
      %dma_start3A_169 = tpu.memref_squeeze %dma_start3A_168 : memref<1x128x64xf32, #tpu.memory_space<vmem>> -> memref<128x64xf32, #tpu.memory_space<vmem>>
      %dma_start3A_170 = arith.constant 0 : i32
      %dma_start3A_171 = tpu.memref_slice %arg6[%dma_start3A_164, %dma_start3A_170] : memref<2x128xi32, #tpu.memory_space<vmem>> -> memref<1x128xi32, #tpu.memory_space<vmem>>
      %dma_start3A_172 = tpu.memref_squeeze %dma_start3A_171 : memref<1x128xi32, #tpu.memory_space<vmem>> -> memref<128xi32, #tpu.memory_space<vmem>>
      %dma_start3A_173 = arith.constant 0 : i32
      %dma_start3A_174 = arith.constant 0 : i32
      %dma_start3A_175 = tpu.memref_slice %arg3[%dma_start3A_173, %dma_start3A_174] : memref<1000000x64xf32, #tpu.memory_space<hbm>> -> memref<1000000x64xf32, #tpu.memory_space<hbm>>
      tpu.enqueue_indirect_dma source(%dma_start3A_175 : memref<1000000x64xf32, #tpu.memory_space<hbm>>) target(%dma_start3A_169 : memref<128x64xf32, #tpu.memory_space<vmem>>) offsets(%dma_start3A_172 : memref<128xi32, #tpu.memory_space<vmem>>) semaphore(%arg10 : memref<!tpu.dma_semaphore, #tpu.memory_space<semaphore_mem>>)
      %parallel_loop3A = arith.constant 0 : i32
      %parallel_loop3A_176 = arith.constant 128 : i32
      %parallel_loop3A_177 = arith.constant 1 : i32
      scf.for %parallel_loop3A_215 = %parallel_loop3A to %parallel_loop3A_176 step %parallel_loop3A_177  : i32 {
        %parallel_loop3A_216 = arith.constant 0.000000e+00 : f32
        %parallel_loop3A_217 = vector.broadcast %parallel_loop3A_216 : f32 to vector<16xf32>
        %parallel_loop3A_218 = arith.index_cast %parallel_loop3A_215 : i32 to index
        %parallel_loop3A_219 = arith.constant 0 : index
        %parallel_loop3A_220 = tpu.vector_load %arg8[%parallel_loop3A_218, %parallel_loop3A_219] {strides = array<i32>} : memref<128x64xf32, #tpu.memory_space<vmem>>, vector<16xf32>,
        tpu.vector_store %arg8[%parallel_loop3A_218, %parallel_loop3A_219], %parallel_loop3A_217 {strides = array<i32>} : memref<128x64xf32, #tpu.memory_space<vmem>>, vector<16xf32>,
        %parallel_loop3A_221 = arith.index_cast %parallel_loop3A_215 : i32 to index
        %parallel_loop3A_222 = arith.constant 16 : index
        %parallel_loop3A_223 = tpu.vector_load %arg8[%parallel_loop3A_221, %parallel_loop3A_222] {strides = array<i32>} : memref<128x64xf32, #tpu.memory_space<vmem>>, vector<16xf32>,
        tpu.vector_store %arg8[%parallel_loop3A_221, %parallel_loop3A_222], %parallel_loop3A_217 {strides = array<i32>} : memref<128x64xf32, #tpu.memory_space<vmem>>, vector<16xf32>,
        %parallel_loop3A_224 = arith.index_cast %parallel_loop3A_215 : i32 to index
        %parallel_loop3A_225 = arith.constant 32 : index
        %parallel_loop3A_226 = tpu.vector_load %arg8[%parallel_loop3A_224, %parallel_loop3A_225] {strides = array<i32>} : memref<128x64xf32, #tpu.memory_space<vmem>>, vector<16xf32>,
        tpu.vector_store %arg8[%parallel_loop3A_224, %parallel_loop3A_225], %parallel_loop3A_217 {strides = array<i32>} : memref<128x64xf32, #tpu.memory_space<vmem>>, vector<16xf32>,
        %parallel_loop3A_227 = arith.index_cast %parallel_loop3A_215 : i32 to index
        %parallel_loop3A_228 = arith.constant 48 : index
        %parallel_loop3A_229 = tpu.vector_load %arg8[%parallel_loop3A_227, %parallel_loop3A_228] {strides = array<i32>} : memref<128x64xf32, #tpu.memory_space<vmem>>, vector<16xf32>,
        tpu.vector_store %arg8[%parallel_loop3A_227, %parallel_loop3A_228], %parallel_loop3A_217 {strides = array<i32>} : memref<128x64xf32, #tpu.memory_space<vmem>>, vector<16xf32>,
      } {sc.loop_unroll_factor = 8 : i64, sc.parallel_access}
      %scan3A_178 = arith.constant 0 : i32
      %scan3A_179 = arith.constant 0 : i32
      %scan3A_180 = arith.constant 100 : i32
      %scan3A_181 = arith.addi %scan3A_179, %scan3A_180 : i32
      %scan3A_182 = arith.constant 1 : i32
      scf.for %scan3A_215 = %scan3A_179 to %scan3A_181 step %scan3A_182  : i32 {
        %mul3A_216 = arith.constant 2 : i32
        %mul3A_217 = arith.muli %scan3A_215, %mul3A_216 : i32
        %add3A_218 = arith.constant 0 : i32
        %add3A_219 = arith.addi %mul3A_217, %add3A_218 : i32
        %dma_wait3A_220 = arith.constant 0 : i32
        %dma_wait3A_221 = arith.constant 0 : i32
        %dma_wait3A_222 = arith.constant 0 : i32
        %dma_wait3A_223 = tpu.memref_slice %arg7[%dma_wait3A_220, %dma_wait3A_221, %dma_wait3A_222] : memref<2x128x64xf32, #tpu.memory_space<vmem>> -> memref<1x128x64xf32, #tpu.memory_space<vmem>>
        %dma_wait3A_224 = tpu.memref_squeeze %dma_wait3A_223 : memref<1x128x64xf32, #tpu.memory_space<vmem>> -> memref<128x64xf32, #tpu.memory_space<vmem>>
        %dma_wait3A_225 = arith.constant 0 : i32
        %dma_wait3A_226 = arith.constant 0 : i32
        %dma_wait3A_227 = tpu.memref_slice %arg3[%dma_wait3A_225, %dma_wait3A_226] : memref<1000000x64xf32, #tpu.memory_space<hbm>> -> memref<128x64xf32, #tpu.memory_space<hbm>>
        %dma_wait3A_228 = arith.constant 0 : i32
        %dma_wait3A_229 = arith.constant 0 : i32
        %dma_wait3A_230 = tpu.memref_slice %arg7[%dma_wait3A_220, %dma_wait3A_228, %dma_wait3A_229] : memref<2x128x64xf32, #tpu.memory_space<vmem>> -> memref<1x128x64xf32, #tpu.memory_space<vmem>>
        %dma_wait3A_231 = tpu.memref_squeeze %dma_wait3A_230 : memref<1x128x64xf32, #tpu.memory_space<vmem>> -> memref<128x64xf32, #tpu.memory_space<vmem>>
        %dma_wait3A_232 = arith.constant 0 : i32
        %dma_wait3A_233 = arith.constant 0 : i32
        %dma_wait3A_234 = tpu.memref_slice %arg3[%dma_wait3A_232, %dma_wait3A_233] : memref<1000000x64xf32, #tpu.memory_space<hbm>> -> memref<128x64xf32, #tpu.memory_space<hbm>>
        tpu.wait_dma2 semaphore(%arg9 : memref<!tpu.dma_semaphore, #tpu.memory_space<semaphore_mem>>) src(%dma_wait3A_234 : memref<128x64xf32, #tpu.memory_space<hbm>>) dst(%dma_wait3A_231 : memref<128x64xf32, #tpu.memory_space<vmem>>)
        %scan3A_235 = arith.constant 0 : i32
        %scan3A_236 = arith.constant 0 : i32
        %scan3A_237 = arith.constant 0 : i32
        %scan3A_238 = arith.constant 128 : i32
        %scan3A_239 = arith.addi %scan3A_237, %scan3A_238 : i32
        %scan3A_240 = arith.constant 8 : i32
        scf.for %scan3A_439 = %scan3A_237 to %scan3A_239 step %scan3A_240  : i32 {
          %get3A = arith.constant 0 : i32
          %get3A_440 = arith.constant 0 : i32
          %get3A_441 = tpu.memref_slice %arg7[%scan3A_236, %get3A, %get3A_440] : memref<2x128x64xf32, #tpu.memory_space<vmem>> -> memref<1x128x64xf32, #tpu.memory_space<vmem>>
          %get3A_442 = tpu.memref_squeeze %get3A_441 : memref<1x128x64xf32, #tpu.memory_space<vmem>> -> memref<128x64xf32, #tpu.memory_space<vmem>>
          %get3A_443 = arith.index_cast %scan3A_439 : i32 to index
          %get3A_444 = arith.constant 0 : index
          %get3A_445 = tpu.vector_load %get3A_442[%get3A_443, %get3A_444] {strides = array<i32>} : memref<128x64xf32, #tpu.memory_space<vmem>>, vector<16xf32>,
          %swap3A_446 = arith.index_cast %scan3A_439 : i32 to index
          %swap3A_447 = arith.constant 0 : index
          %swap3A_448 = tpu.vector_load %arg8[%swap3A_446, %swap3A_447] {strides = array<i32>} : memref<128x64xf32, #tpu.memory_space<vmem>>, vector<16xf32>,
          tpu.vector_store %arg8[%swap3A_446, %swap3A_447], %get3A_445 {add = true, strides = array<i32>} : memref<128x64xf32, #tpu.memory_space<vmem>>, vector<16xf32>,
          %get3A_449 = arith.constant 0 : i32
          %get3A_450 = arith.constant 0 : i32
          %get3A_451 = tpu.memref_slice %arg7[%scan3A_236, %get3A_449, %get3A_450] : memref<2x128x64xf32, #tpu.memory_space<vmem>> -> memref<1x128x64xf32, #tpu.memory_space<vmem>>
          %get3A_452 = tpu.memref_squeeze %get3A_451 : memref<1x128x64xf32, #tpu.memory_space<vmem>> -> memref<128x64xf32, #tpu.memory_space<vmem>>
          %get3A_453 = arith.index_cast %scan3A_439 : i32 to index
          %get3A_454 = arith.constant 16 : index
          %get3A_455 = tpu.vector_load %get3A_452[%get3A_453, %get3A_454] {strides = array<i32>} : memref<128x64xf32, #tpu.memory_space<vmem>>, vector<16xf32>,
          %swap3A_456 = arith.index_cast %scan3A_439 : i32 to index
          %swap3A_457 = arith.constant 16 : index
          %swap3A_458 = tpu.vector_load %arg8[%swap3A_456, %swap3A_457] {strides = array<i32>} : memref<128x64xf32, #tpu.memory_space<vmem>>, vector<16xf32>,
          tpu.vector_store %arg8[%swap3A_456, %swap3A_457], %get3A_455 {add = true, strides = array<i32>} : memref<128x64xf32, #tpu.memory_space<vmem>>, vector<16xf32>,
          %get3A_459 = arith.constant 0 : i32
          %get3A_460 = arith.constant 0 : i32
          %get3A_461 = tpu.memref_slice %arg7[%scan3A_236, %get3A_459, %get3A_460] : memref<2x128x64xf32, #tpu.memory_space<vmem>> -> memref<1x128x64xf32, #tpu.memory_space<vmem>>
          %get3A_462 = tpu.memref_squeeze %get3A_461 : memref<1x128x64xf32, #tpu.memory_space<vmem>> -> memref<128x64xf32, #tpu.memory_space<vmem>>
          %get3A_463 = arith.index_cast %scan3A_439 : i32 to index
          %get3A_464 = arith.constant 32 : index
          %get3A_465 = tpu.vector_load %get3A_462[%get3A_463, %get3A_464] {strides = array<i32>} : memref<128x64xf32, #tpu.memory_space<vmem>>, vector<16xf32>,
          %swap3A_466 = arith.index_cast %scan3A_439 : i32 to index
          %swap3A_467 = arith.constant 32 : index
          %swap3A_468 = tpu.vector_load %arg8[%swap3A_466, %swap3A_467] {strides = array<i32>} : memref<128x64xf32, #tpu.memory_space<vmem>>, vector<16xf32>,
          tpu.vector_store %arg8[%swap3A_466, %swap3A_467], %get3A_465 {add = true, strides = array<i32>} : memref<128x64xf32, #tpu.memory_space<vmem>>, vector<16xf32>,
          %get3A_469 = arith.constant 0 : i32
          %get3A_470 = arith.constant 0 : i32
          %get3A_471 = tpu.memref_slice %arg7[%scan3A_236, %get3A_469, %get3A_470] : memref<2x128x64xf32, #tpu.memory_space<vmem>> -> memref<1x128x64xf32, #tpu.memory_space<vmem>>
          %get3A_472 = tpu.memref_squeeze %get3A_471 : memref<1x128x64xf32, #tpu.memory_space<vmem>> -> memref<128x64xf32, #tpu.memory_space<vmem>>
          %get3A_473 = arith.index_cast %scan3A_439 : i32 to index
          %get3A_474 = arith.constant 48 : index
          %get3A_475 = tpu.vector_load %get3A_472[%get3A_473, %get3A_474] {strides = array<i32>} : memref<128x64xf32, #tpu.memory_space<vmem>>, vector<16xf32>,
          %swap3A_476 = arith.index_cast %scan3A_439 : i32 to index
          %swap3A_477 = arith.constant 48 : index
          %swap3A_478 = tpu.vector_load %arg8[%swap3A_476, %swap3A_477] {strides = array<i32>} : memref<128x64xf32, #tpu.memory_space<vmem>>, vector<16xf32>,
          tpu.vector_store %arg8[%swap3A_476, %swap3A_477], %get3A_475 {add = true, strides = array<i32>} : memref<128x64xf32, #tpu.memory_space<vmem>>, vector<16xf32>,
          %scan3A_479 = arith.constant 1 : i32
          %scan3A_480 = arith.addi %scan3A_439, %scan3A_479 : i32
          %get3A_481 = arith.constant 0 : i32
          %get3A_482 = arith.constant 0 : i32
          %get3A_483 = tpu.memref_slice %arg7[%scan3A_236, %get3A_481, %get3A_482] : memref<2x128x64xf32, #tpu.memory_space<vmem>> -> memref<1x128x64xf32, #tpu.memory_space<vmem>>
          %get3A_484 = tpu.memref_squeeze %get3A_483 : memref<1x128x64xf32, #tpu.memory_space<vmem>> -> memref<128x64xf32, #tpu.memory_space<vmem>>
          %get3A_485 = arith.index_cast %scan3A_480 : i32 to index
          %get3A_486 = arith.constant 0 : index
          %get3A_487 = tpu.vector_load %get3A_484[%get3A_485, %get3A_486] {strides = array<i32>} : memref<128x64xf32, #tpu.memory_space<vmem>>, vector<16xf32>,
          %swap3A_488 = arith.index_cast %scan3A_480 : i32 to index
          %swap3A_489 = arith.constant 0 : index
          %swap3A_490 = tpu.vector_load %arg8[%swap3A_488, %swap3A_489] {strides = array<i32>} : memref<128x64xf32, #tpu.memory_space<vmem>>, vector<16xf32>,
          tpu.vector_store %arg8[%swap3A_488, %swap3A_489], %get3A_487 {add = true, strides = array<i32>} : memref<128x64xf32, #tpu.memory_space<vmem>>, vector<16xf32>,
          %get3A_491 = arith.constant 0 : i32
          %get3A_492 = arith.constant 0 : i32
          %get3A_493 = tpu.memref_slice %arg7[%scan3A_236, %get3A_491, %get3A_492] : memref<2x128x64xf32, #tpu.memory_space<vmem>> -> memref<1x128x64xf32, #tpu.memory_space<vmem>>
          %get3A_494 = tpu.memref_squeeze %get3A_493 : memref<1x128x64xf32, #tpu.memory_space<vmem>> -> memref<128x64xf32, #tpu.memory_space<vmem>>
          %get3A_495 = arith.index_cast %scan3A_480 : i32 to index
          %get3A_496 = arith.constant 16 : index
          %get3A_497 = tpu.vector_load %get3A_494[%get3A_495, %get3A_496] {strides = array<i32>} : memref<128x64xf32, #tpu.memory_space<vmem>>, vector<16xf32>,
          %swap3A_498 = arith.index_cast %scan3A_480 : i32 to index
          %swap3A_499 = arith.constant 16 : index
          %swap3A_500 = tpu.vector_load %arg8[%swap3A_498, %swap3A_499] {strides = array<i32>} : memref<128x64xf32, #tpu.memory_space<vmem>>, vector<16xf32>,
          tpu.vector_store %arg8[%swap3A_498, %swap3A_499], %get3A_497 {add = true, strides = array<i32>} : memref<128x64xf32, #tpu.memory_space<vmem>>, vector<16xf32>,
          %get3A_501 = arith.constant 0 : i32
          %get3A_502 = arith.constant 0 : i32
          %get3A_503 = tpu.memref_slice %arg7[%scan3A_236, %get3A_501, %get3A_502] : memref<2x128x64xf32, #tpu.memory_space<vmem>> -> memref<1x128x64xf32, #tpu.memory_space<vmem>>
          %get3A_504 = tpu.memref_squeeze %get3A_503 : memref<1x128x64xf32, #tpu.memory_space<vmem>> -> memref<128x64xf32, #tpu.memory_space<vmem>>
          %get3A_505 = arith.index_cast %scan3A_480 : i32 to index
          %get3A_506 = arith.constant 32 : index
          %get3A_507 = tpu.vector_load %get3A_504[%get3A_505, %get3A_506] {strides = array<i32>} : memref<128x64xf32, #tpu.memory_space<vmem>>, vector<16xf32>,
          %swap3A_508 = arith.index_cast %scan3A_480 : i32 to index
          %swap3A_509 = arith.constant 32 : index
          %swap3A_510 = tpu.vector_load %arg8[%swap3A_508, %swap3A_509] {strides = array<i32>} : memref<128x64xf32, #tpu.memory_space<vmem>>, vector<16xf32>,
          tpu.vector_store %arg8[%swap3A_508, %swap3A_509], %get3A_507 {add = true, strides = array<i32>} : memref<128x64xf32, #tpu.memory_space<vmem>>, vector<16xf32>,
          %get3A_511 = arith.constant 0 : i32
          %get3A_512 = arith.constant 0 : i32
          %get3A_513 = tpu.memref_slice %arg7[%scan3A_236, %get3A_511, %get3A_512] : memref<2x128x64xf32, #tpu.memory_space<vmem>> -> memref<1x128x64xf32, #tpu.memory_space<vmem>>
          %get3A_514 = tpu.memref_squeeze %get3A_513 : memref<1x128x64xf32, #tpu.memory_space<vmem>> -> memref<128x64xf32, #tpu.memory_space<vmem>>
          %get3A_515 = arith.index_cast %scan3A_480 : i32 to index
          %get3A_516 = arith.constant 48 : index
          %get3A_517 = tpu.vector_load %get3A_514[%get3A_515, %get3A_516] {strides = array<i32>} : memref<128x64xf32, #tpu.memory_space<vmem>>, vector<16xf32>,
          %swap3A_518 = arith.index_cast %scan3A_480 : i32 to index
          %swap3A_519 = arith.constant 48 : index
          %swap3A_520 = tpu.vector_load %arg8[%swap3A_518, %swap3A_519] {strides = array<i32>} : memref<128x64xf32, #tpu.memory_space<vmem>>, vector<16xf32>,
          tpu.vector_store %arg8[%swap3A_518, %swap3A_519], %get3A_517 {add = true, strides = array<i32>} : memref<128x64xf32, #tpu.memory_space<vmem>>, vector<16xf32>,
          %scan3A_521 = arith.constant 2 : i32
          %scan3A_522 = arith.addi %scan3A_439, %scan3A_521 : i32
          %get3A_523 = arith.constant 0 : i32
          %get3A_524 = arith.constant 0 : i32
          %get3A_525 = tpu.memref_slice %arg7[%scan3A_236, %get3A_523, %get3A_524] : memref<2x128x64xf32, #tpu.memory_space<vmem>> -> memref<1x128x64xf32, #tpu.memory_space<vmem>>
          %get3A_526 = tpu.memref_squeeze %get3A_525 : memref<1x128x64xf32, #tpu.memory_space<vmem>> -> memref<128x64xf32, #tpu.memory_space<vmem>>
          %get3A_527 = arith.index_cast %scan3A_522 : i32 to index
          %get3A_528 = arith.constant 0 : index
          %get3A_529 = tpu.vector_load %get3A_526[%get3A_527, %get3A_528] {strides = array<i32>} : memref<128x64xf32, #tpu.memory_space<vmem>>, vector<16xf32>,
          %swap3A_530 = arith.index_cast %scan3A_522 : i32 to index
          %swap3A_531 = arith.constant 0 : index
          %swap3A_532 = tpu.vector_load %arg8[%swap3A_530, %swap3A_531] {strides = array<i32>} : memref<128x64xf32, #tpu.memory_space<vmem>>, vector<16xf32>,
          tpu.vector_store %arg8[%swap3A_530, %swap3A_531], %get3A_529 {add = true, strides = array<i32>} : memref<128x64xf32, #tpu.memory_space<vmem>>, vector<16xf32>,
          %get3A_533 = arith.constant 0 : i32
          %get3A_534 = arith.constant 0 : i32
          %get3A_535 = tpu.memref_slice %arg7[%scan3A_236, %get3A_533, %get3A_534] : memref<2x128x64xf32, #tpu.memory_space<vmem>> -> memref<1x128x64xf32, #tpu.memory_space<vmem>>
          %get3A_536 = tpu.memref_squeeze %get3A_535 : memref<1x128x64xf32, #tpu.memory_space<vmem>> -> memref<128x64xf32, #tpu.memory_space<vmem>>
          %get3A_537 = arith.index_cast %scan3A_522 : i32 to index
          %get3A_538 = arith.constant 16 : index
          %get3A_539 = tpu.vector_load %get3A_536[%get3A_537, %get3A_538] {strides = array<i32>} : memref<128x64xf32, #tpu.memory_space<vmem>>, vector<16xf32>,
          %swap3A_540 = arith.index_cast %scan3A_522 : i32 to index
          %swap3A_541 = arith.constant 16 : index
          %swap3A_542 = tpu.vector_load %arg8[%swap3A_540, %swap3A_541] {strides = array<i32>} : memref<128x64xf32, #tpu.memory_space<vmem>>, vector<16xf32>,
          tpu.vector_store %arg8[%swap3A_540, %swap3A_541], %get3A_539 {add = true, strides = array<i32>} : memref<128x64xf32, #tpu.memory_space<vmem>>, vector<16xf32>,
          %get3A_543 = arith.constant 0 : i32
          %get3A_544 = arith.constant 0 : i32
          %get3A_545 = tpu.memref_slice %arg7[%scan3A_236, %get3A_543, %get3A_544] : memref<2x128x64xf32, #tpu.memory_space<vmem>> -> memref<1x128x64xf32, #tpu.memory_space<vmem>>
          %get3A_546 = tpu.memref_squeeze %get3A_545 : memref<1x128x64xf32, #tpu.memory_space<vmem>> -> memref<128x64xf32, #tpu.memory_space<vmem>>
          %get3A_547 = arith.index_cast %scan3A_522 : i32 to index
          %get3A_548 = arith.constant 32 : index
          %get3A_549 = tpu.vector_load %get3A_546[%get3A_547, %get3A_548] {strides = array<i32>} : memref<128x64xf32, #tpu.memory_space<vmem>>, vector<16xf32>,
          %swap3A_550 = arith.index_cast %scan3A_522 : i32 to index
          %swap3A_551 = arith.constant 32 : index
          %swap3A_552 = tpu.vector_load %arg8[%swap3A_550, %swap3A_551] {strides = array<i32>} : memref<128x64xf32, #tpu.memory_space<vmem>>, vector<16xf32>,
          tpu.vector_store %arg8[%swap3A_550, %swap3A_551], %get3A_549 {add = true, strides = array<i32>} : memref<128x64xf32, #tpu.memory_space<vmem>>, vector<16xf32>,
          %get3A_553 = arith.constant 0 : i32
          %get3A_554 = arith.constant 0 : i32
          %get3A_555 = tpu.memref_slice %arg7[%scan3A_236, %get3A_553, %get3A_554] : memref<2x128x64xf32, #tpu.memory_space<vmem>> -> memref<1x128x64xf32, #tpu.memory_space<vmem>>
          %get3A_556 = tpu.memref_squeeze %get3A_555 : memref<1x128x64xf32, #tpu.memory_space<vmem>> -> memref<128x64xf32, #tpu.memory_space<vmem>>
          %get3A_557 = arith.index_cast %scan3A_522 : i32 to index
          %get3A_558 = arith.constant 48 : index
          %get3A_559 = tpu.vector_load %get3A_556[%get3A_557, %get3A_558] {strides = array<i32>} : memref<128x64xf32, #tpu.memory_space<vmem>>, vector<16xf32>,
          %swap3A_560 = arith.index_cast %scan3A_522 : i32 to index
          %swap3A_561 = arith.constant 48 : index
          %swap3A_562 = tpu.vector_load %arg8[%swap3A_560, %swap3A_561] {strides = array<i32>} : memref<128x64xf32, #tpu.memory_space<vmem>>, vector<16xf32>,
          tpu.vector_store %arg8[%swap3A_560, %swap3A_561], %get3A_559 {add = true, strides = array<i32>} : memref<128x64xf32, #tpu.memory_space<vmem>>, vector<16xf32>,
          %scan3A_563 = arith.constant 3 : i32
          %scan3A_564 = arith.addi %scan3A_439, %scan3A_563 : i32
          %get3A_565 = arith.constant 0 : i32
          %get3A_566 = arith.constant 0 : i32
          %get3A_567 = tpu.memref_slice %arg7[%scan3A_236, %get3A_565, %get3A_566] : memref<2x128x64xf32, #tpu.memory_space<vmem>> -> memref<1x128x64xf32, #tpu.memory_space<vmem>>
          %get3A_568 = tpu.memref_squeeze %get3A_567 : memref<1x128x64xf32, #tpu.memory_space<vmem>> -> memref<128x64xf32, #tpu.memory_space<vmem>>
          %get3A_569 = arith.index_cast %scan3A_564 : i32 to index
          %get3A_570 = arith.constant 0 : index
          %get3A_571 = tpu.vector_load %get3A_568[%get3A_569, %get3A_570] {strides = array<i32>} : memref<128x64xf32, #tpu.memory_space<vmem>>, vector<16xf32>,
          %swap3A_572 = arith.index_cast %scan3A_564 : i32 to index
          %swap3A_573 = arith.constant 0 : index
          %swap3A_574 = tpu.vector_load %arg8[%swap3A_572, %swap3A_573] {strides = array<i32>} : memref<128x64xf32, #tpu.memory_space<vmem>>, vector<16xf32>,
          tpu.vector_store %arg8[%swap3A_572, %swap3A_573], %get3A_571 {add = true, strides = array<i32>} : memref<128x64xf32, #tpu.memory_space<vmem>>, vector<16xf32>,
          %get3A_575 = arith.constant 0 : i32
          %get3A_576 = arith.constant 0 : i32
          %get3A_577 = tpu.memref_slice %arg7[%scan3A_236, %get3A_575, %get3A_576] : memref<2x128x64xf32, #tpu.memory_space<vmem>> -> memref<1x128x64xf32, #tpu.memory_space<vmem>>
          %get3A_578 = tpu.memref_squeeze %get3A_577 : memref<1x128x64xf32, #tpu.memory_space<vmem>> -> memref<128x64xf32, #tpu.memory_space<vmem>>
          %get3A_579 = arith.index_cast %scan3A_564 : i32 to index
          %get3A_580 = arith.constant 16 : index
          %get3A_581 = tpu.vector_load %get3A_578[%get3A_579, %get3A_580] {strides = array<i32>} : memref<128x64xf32, #tpu.memory_space<vmem>>, vector<16xf32>,
          %swap3A_582 = arith.index_cast %scan3A_564 : i32 to index
          %swap3A_583 = arith.constant 16 : index
          %swap3A_584 = tpu.vector_load %arg8[%swap3A_582, %swap3A_583] {strides = array<i32>} : memref<128x64xf32, #tpu.memory_space<vmem>>, vector<16xf32>,
          tpu.vector_store %arg8[%swap3A_582, %swap3A_583], %get3A_581 {add = true, strides = array<i32>} : memref<128x64xf32, #tpu.memory_space<vmem>>, vector<16xf32>,
          %get3A_585 = arith.constant 0 : i32
          %get3A_586 = arith.constant 0 : i32
          %get3A_587 = tpu.memref_slice %arg7[%scan3A_236, %get3A_585, %get3A_586] : memref<2x128x64xf32, #tpu.memory_space<vmem>> -> memref<1x128x64xf32, #tpu.memory_space<vmem>>
          %get3A_588 = tpu.memref_squeeze %get3A_587 : memref<1x128x64xf32, #tpu.memory_space<vmem>> -> memref<128x64xf32, #tpu.memory_space<vmem>>
          %get3A_589 = arith.index_cast %scan3A_564 : i32 to index
          %get3A_590 = arith.constant 32 : index
          %get3A_591 = tpu.vector_load %get3A_588[%get3A_589, %get3A_590] {strides = array<i32>} : memref<128x64xf32, #tpu.memory_space<vmem>>, vector<16xf32>,
          %swap3A_592 = arith.index_cast %scan3A_564 : i32 to index
          %swap3A_593 = arith.constant 32 : index
          %swap3A_594 = tpu.vector_load %arg8[%swap3A_592, %swap3A_593] {strides = array<i32>} : memref<128x64xf32, #tpu.memory_space<vmem>>, vector<16xf32>,
          tpu.vector_store %arg8[%swap3A_592, %swap3A_593], %get3A_591 {add = true, strides = array<i32>} : memref<128x64xf32, #tpu.memory_space<vmem>>, vector<16xf32>,
          %get3A_595 = arith.constant 0 : i32
          %get3A_596 = arith.constant 0 : i32
          %get3A_597 = tpu.memref_slice %arg7[%scan3A_236, %get3A_595, %get3A_596] : memref<2x128x64xf32, #tpu.memory_space<vmem>> -> memref<1x128x64xf32, #tpu.memory_space<vmem>>
          %get3A_598 = tpu.memref_squeeze %get3A_597 : memref<1x128x64xf32, #tpu.memory_space<vmem>> -> memref<128x64xf32, #tpu.memory_space<vmem>>
          %get3A_599 = arith.index_cast %scan3A_564 : i32 to index
          %get3A_600 = arith.constant 48 : index
          %get3A_601 = tpu.vector_load %get3A_598[%get3A_599, %get3A_600] {strides = array<i32>} : memref<128x64xf32, #tpu.memory_space<vmem>>, vector<16xf32>,
          %swap3A_602 = arith.index_cast %scan3A_564 : i32 to index
          %swap3A_603 = arith.constant 48 : index
          %swap3A_604 = tpu.vector_load %arg8[%swap3A_602, %swap3A_603] {strides = array<i32>} : memref<128x64xf32, #tpu.memory_space<vmem>>, vector<16xf32>,
          tpu.vector_store %arg8[%swap3A_602, %swap3A_603], %get3A_601 {add = true, strides = array<i32>} : memref<128x64xf32, #tpu.memory_space<vmem>>, vector<16xf32>,
          %scan3A_605 = arith.constant 4 : i32
          %scan3A_606 = arith.addi %scan3A_439, %scan3A_605 : i32
          %get3A_607 = arith.constant 0 : i32
          %get3A_608 = arith.constant 0 : i32
          %get3A_609 = tpu.memref_slice %arg7[%scan3A_236, %get3A_607, %get3A_608] : memref<2x128x64xf32, #tpu.memory_space<vmem>> -> memref<1x128x64xf32, #tpu.memory_space<vmem>>
          %get3A_610 = tpu.memref_squeeze %get3A_609 : memref<1x128x64xf32, #tpu.memory_space<vmem>> -> memref<128x64xf32, #tpu.memory_space<vmem>>
          %get3A_611 = arith.index_cast %scan3A_606 : i32 to index
          %get3A_612 = arith.constant 0 : index
          %get3A_613 = tpu.vector_load %get3A_610[%get3A_611, %get3A_612] {strides = array<i32>} : memref<128x64xf32, #tpu.memory_space<vmem>>, vector<16xf32>,
          %swap3A_614 = arith.index_cast %scan3A_606 : i32 to index
          %swap3A_615 = arith.constant 0 : index
          %swap3A_616 = tpu.vector_load %arg8[%swap3A_614, %swap3A_615] {strides = array<i32>} : memref<128x64xf32, #tpu.memory_space<vmem>>, vector<16xf32>,
          tpu.vector_store %arg8[%swap3A_614, %swap3A_615], %get3A_613 {add = true, strides = array<i32>} : memref<128x64xf32, #tpu.memory_space<vmem>>, vector<16xf32>,
          %get3A_617 = arith.constant 0 : i32
          %get3A_618 = arith.constant 0 : i32
          %get3A_619 = tpu.memref_slice %arg7[%scan3A_236, %get3A_617, %get3A_618] : memref<2x128x64xf32, #tpu.memory_space<vmem>> -> memref<1x128x64xf32, #tpu.memory_space<vmem>>
          %get3A_620 = tpu.memref_squeeze %get3A_619 : memref<1x128x64xf32, #tpu.memory_space<vmem>> -> memref<128x64xf32, #tpu.memory_space<vmem>>
          %get3A_621 = arith.index_cast %scan3A_606 : i32 to index
          %get3A_622 = arith.constant 16 : index
          %get3A_623 = tpu.vector_load %get3A_620[%get3A_621, %get3A_622] {strides = array<i32>} : memref<128x64xf32, #tpu.memory_space<vmem>>, vector<16xf32>,
          %swap3A_624 = arith.index_cast %scan3A_606 : i32 to index
          %swap3A_625 = arith.constant 16 : index
          %swap3A_626 = tpu.vector_load %arg8[%swap3A_624, %swap3A_625] {strides = array<i32>} : memref<128x64xf32, #tpu.memory_space<vmem>>, vector<16xf32>,
          tpu.vector_store %arg8[%swap3A_624, %swap3A_625], %get3A_623 {add = true, strides = array<i32>} : memref<128x64xf32, #tpu.memory_space<vmem>>, vector<16xf32>,
          %get3A_627 = arith.constant 0 : i32
          %get3A_628 = arith.constant 0 : i32
          %get3A_629 = tpu.memref_slice %arg7[%scan3A_236, %get3A_627, %get3A_628] : memref<2x128x64xf32, #tpu.memory_space<vmem>> -> memref<1x128x64xf32, #tpu.memory_space<vmem>>
          %get3A_630 = tpu.memref_squeeze %get3A_629 : memref<1x128x64xf32, #tpu.memory_space<vmem>> -> memref<128x64xf32, #tpu.memory_space<vmem>>
          %get3A_631 = arith.index_cast %scan3A_606 : i32 to index
          %get3A_632 = arith.constant 32 : index
          %get3A_633 = tpu.vector_load %get3A_630[%get3A_631, %get3A_632] {strides = array<i32>} : memref<128x64xf32, #tpu.memory_space<vmem>>, vector<16xf32>,
          %swap3A_634 = arith.index_cast %scan3A_606 : i32 to index
          %swap3A_635 = arith.constant 32 : index
          %swap3A_636 = tpu.vector_load %arg8[%swap3A_634, %swap3A_635] {strides = array<i32>} : memref<128x64xf32, #tpu.memory_space<vmem>>, vector<16xf32>,
          tpu.vector_store %arg8[%swap3A_634, %swap3A_635], %get3A_633 {add = true, strides = array<i32>} : memref<128x64xf32, #tpu.memory_space<vmem>>, vector<16xf32>,
          %get3A_637 = arith.constant 0 : i32
          %get3A_638 = arith.constant 0 : i32
          %get3A_639 = tpu.memref_slice %arg7[%scan3A_236, %get3A_637, %get3A_638] : memref<2x128x64xf32, #tpu.memory_space<vmem>> -> memref<1x128x64xf32, #tpu.memory_space<vmem>>
          %get3A_640 = tpu.memref_squeeze %get3A_639 : memref<1x128x64xf32, #tpu.memory_space<vmem>> -> memref<128x64xf32, #tpu.memory_space<vmem>>
          %get3A_641 = arith.index_cast %scan3A_606 : i32 to index
          %get3A_642 = arith.constant 48 : index
          %get3A_643 = tpu.vector_load %get3A_640[%get3A_641, %get3A_642] {strides = array<i32>} : memref<128x64xf32, #tpu.memory_space<vmem>>, vector<16xf32>,
          %swap3A_644 = arith.index_cast %scan3A_606 : i32 to index
          %swap3A_645 = arith.constant 48 : index
          %swap3A_646 = tpu.vector_load %arg8[%swap3A_644, %swap3A_645] {strides = array<i32>} : memref<128x64xf32, #tpu.memory_space<vmem>>, vector<16xf32>,
          tpu.vector_store %arg8[%swap3A_644, %swap3A_645], %get3A_643 {add = true, strides = array<i32>} : memref<128x64xf32, #tpu.memory_space<vmem>>, vector<16xf32>,
          %scan3A_647 = arith.constant 5 : i32
          %scan3A_648 = arith.addi %scan3A_439, %scan3A_647 : i32
          %get3A_649 = arith.constant 0 : i32
          %get3A_650 = arith.constant 0 : i32
          %get3A_651 = tpu.memref_slice %arg7[%scan3A_236, %get3A_649, %get3A_650] : memref<2x128x64xf32, #tpu.memory_space<vmem>> -> memref<1x128x64xf32, #tpu.memory_space<vmem>>
          %get3A_652 = tpu.memref_squeeze %get3A_651 : memref<1x128x64xf32, #tpu.memory_space<vmem>> -> memref<128x64xf32, #tpu.memory_space<vmem>>
          %get3A_653 = arith.index_cast %scan3A_648 : i32 to index
          %get3A_654 = arith.constant 0 : index
          %get3A_655 = tpu.vector_load %get3A_652[%get3A_653, %get3A_654] {strides = array<i32>} : memref<128x64xf32, #tpu.memory_space<vmem>>, vector<16xf32>,
          %swap3A_656 = arith.index_cast %scan3A_648 : i32 to index
          %swap3A_657 = arith.constant 0 : index
          %swap3A_658 = tpu.vector_load %arg8[%swap3A_656, %swap3A_657] {strides = array<i32>} : memref<128x64xf32, #tpu.memory_space<vmem>>, vector<16xf32>,
          tpu.vector_store %arg8[%swap3A_656, %swap3A_657], %get3A_655 {add = true, strides = array<i32>} : memref<128x64xf32, #tpu.memory_space<vmem>>, vector<16xf32>,
          %get3A_659 = arith.constant 0 : i32
          %get3A_660 = arith.constant 0 : i32
          %get3A_661 = tpu.memref_slice %arg7[%scan3A_236, %get3A_659, %get3A_660] : memref<2x128x64xf32, #tpu.memory_space<vmem>> -> memref<1x128x64xf32, #tpu.memory_space<vmem>>
          %get3A_662 = tpu.memref_squeeze %get3A_661 : memref<1x128x64xf32, #tpu.memory_space<vmem>> -> memref<128x64xf32, #tpu.memory_space<vmem>>
          %get3A_663 = arith.index_cast %scan3A_648 : i32 to index
          %get3A_664 = arith.constant 16 : index
          %get3A_665 = tpu.vector_load %get3A_662[%get3A_663, %get3A_664] {strides = array<i32>} : memref<128x64xf32, #tpu.memory_space<vmem>>, vector<16xf32>,
          %swap3A_666 = arith.index_cast %scan3A_648 : i32 to index
          %swap3A_667 = arith.constant 16 : index
          %swap3A_668 = tpu.vector_load %arg8[%swap3A_666, %swap3A_667] {strides = array<i32>} : memref<128x64xf32, #tpu.memory_space<vmem>>, vector<16xf32>,
          tpu.vector_store %arg8[%swap3A_666, %swap3A_667], %get3A_665 {add = true, strides = array<i32>} : memref<128x64xf32, #tpu.memory_space<vmem>>, vector<16xf32>,
          %get3A_669 = arith.constant 0 : i32
          %get3A_670 = arith.constant 0 : i32
          %get3A_671 = tpu.memref_slice %arg7[%scan3A_236, %get3A_669, %get3A_670] : memref<2x128x64xf32, #tpu.memory_space<vmem>> -> memref<1x128x64xf32, #tpu.memory_space<vmem>>
          %get3A_672 = tpu.memref_squeeze %get3A_671 : memref<1x128x64xf32, #tpu.memory_space<vmem>> -> memref<128x64xf32, #tpu.memory_space<vmem>>
          %get3A_673 = arith.index_cast %scan3A_648 : i32 to index
          %get3A_674 = arith.constant 32 : index
          %get3A_675 = tpu.vector_load %get3A_672[%get3A_673, %get3A_674] {strides = array<i32>} : memref<128x64xf32, #tpu.memory_space<vmem>>, vector<16xf32>,
          %swap3A_676 = arith.index_cast %scan3A_648 : i32 to index
          %swap3A_677 = arith.constant 32 : index
          %swap3A_678 = tpu.vector_load %arg8[%swap3A_676, %swap3A_677] {strides = array<i32>} : memref<128x64xf32, #tpu.memory_space<vmem>>, vector<16xf32>,
          tpu.vector_store %arg8[%swap3A_676, %swap3A_677], %get3A_675 {add = true, strides = array<i32>} : memref<128x64xf32, #tpu.memory_space<vmem>>, vector<16xf32>,
          %get3A_679 = arith.constant 0 : i32
          %get3A_680 = arith.constant 0 : i32
          %get3A_681 = tpu.memref_slice %arg7[%scan3A_236, %get3A_679, %get3A_680] : memref<2x128x64xf32, #tpu.memory_space<vmem>> -> memref<1x128x64xf32, #tpu.memory_space<vmem>>
          %get3A_682 = tpu.memref_squeeze %get3A_681 : memref<1x128x64xf32, #tpu.memory_space<vmem>> -> memref<128x64xf32, #tpu.memory_space<vmem>>
          %get3A_683 = arith.index_cast %scan3A_648 : i32 to index
          %get3A_684 = arith.constant 48 : index
          %get3A_685 = tpu.vector_load %get3A_682[%get3A_683, %get3A_684] {strides = array<i32>} : memref<128x64xf32, #tpu.memory_space<vmem>>, vector<16xf32>,
          %swap3A_686 = arith.index_cast %scan3A_648 : i32 to index
          %swap3A_687 = arith.constant 48 : index
          %swap3A_688 = tpu.vector_load %arg8[%swap3A_686, %swap3A_687] {strides = array<i32>} : memref<128x64xf32, #tpu.memory_space<vmem>>, vector<16xf32>,
          tpu.vector_store %arg8[%swap3A_686, %swap3A_687], %get3A_685 {add = true, strides = array<i32>} : memref<128x64xf32, #tpu.memory_space<vmem>>, vector<16xf32>,
          %scan3A_689 = arith.constant 6 : i32
          %scan3A_690 = arith.addi %scan3A_439, %scan3A_689 : i32
          %get3A_691 = arith.constant 0 : i32
          %get3A_692 = arith.constant 0 : i32
          %get3A_693 = tpu.memref_slice %arg7[%scan3A_236, %get3A_691, %get3A_692] : memref<2x128x64xf32, #tpu.memory_space<vmem>> -> memref<1x128x64xf32, #tpu.memory_space<vmem>>
          %get3A_694 = tpu.memref_squeeze %get3A_693 : memref<1x128x64xf32, #tpu.memory_space<vmem>> -> memref<128x64xf32, #tpu.memory_space<vmem>>
          %get3A_695 = arith.index_cast %scan3A_690 : i32 to index
          %get3A_696 = arith.constant 0 : index
          %get3A_697 = tpu.vector_load %get3A_694[%get3A_695, %get3A_696] {strides = array<i32>} : memref<128x64xf32, #tpu.memory_space<vmem>>, vector<16xf32>,
          %swap3A_698 = arith.index_cast %scan3A_690 : i32 to index
          %swap3A_699 = arith.constant 0 : index
          %swap3A_700 = tpu.vector_load %arg8[%swap3A_698, %swap3A_699] {strides = array<i32>} : memref<128x64xf32, #tpu.memory_space<vmem>>, vector<16xf32>,
          tpu.vector_store %arg8[%swap3A_698, %swap3A_699], %get3A_697 {add = true, strides = array<i32>} : memref<128x64xf32, #tpu.memory_space<vmem>>, vector<16xf32>,
          %get3A_701 = arith.constant 0 : i32
          %get3A_702 = arith.constant 0 : i32
          %get3A_703 = tpu.memref_slice %arg7[%scan3A_236, %get3A_701, %get3A_702] : memref<2x128x64xf32, #tpu.memory_space<vmem>> -> memref<1x128x64xf32, #tpu.memory_space<vmem>>
          %get3A_704 = tpu.memref_squeeze %get3A_703 : memref<1x128x64xf32, #tpu.memory_space<vmem>> -> memref<128x64xf32, #tpu.memory_space<vmem>>
          %get3A_705 = arith.index_cast %scan3A_690 : i32 to index
          %get3A_706 = arith.constant 16 : index
          %get3A_707 = tpu.vector_load %get3A_704[%get3A_705, %get3A_706] {strides = array<i32>} : memref<128x64xf32, #tpu.memory_space<vmem>>, vector<16xf32>,
          %swap3A_708 = arith.index_cast %scan3A_690 : i32 to index
          %swap3A_709 = arith.constant 16 : index
          %swap3A_710 = tpu.vector_load %arg8[%swap3A_708, %swap3A_709] {strides = array<i32>} : memref<128x64xf32, #tpu.memory_space<vmem>>, vector<16xf32>,
          tpu.vector_store %arg8[%swap3A_708, %swap3A_709], %get3A_707 {add = true, strides = array<i32>} : memref<128x64xf32, #tpu.memory_space<vmem>>, vector<16xf32>,
          %get3A_711 = arith.constant 0 : i32
          %get3A_712 = arith.constant 0 : i32
          %get3A_713 = tpu.memref_slice %arg7[%scan3A_236, %get3A_711, %get3A_712] : memref<2x128x64xf32, #tpu.memory_space<vmem>> -> memref<1x128x64xf32, #tpu.memory_space<vmem>>
          %get3A_714 = tpu.memref_squeeze %get3A_713 : memref<1x128x64xf32, #tpu.memory_space<vmem>> -> memref<128x64xf32, #tpu.memory_space<vmem>>
          %get3A_715 = arith.index_cast %scan3A_690 : i32 to index
          %get3A_716 = arith.constant 32 : index
          %get3A_717 = tpu.vector_load %get3A_714[%get3A_715, %get3A_716] {strides = array<i32>} : memref<128x64xf32, #tpu.memory_space<vmem>>, vector<16xf32>,
          %swap3A_718 = arith.index_cast %scan3A_690 : i32 to index
          %swap3A_719 = arith.constant 32 : index
          %swap3A_720 = tpu.vector_load %arg8[%swap3A_718, %swap3A_719] {strides = array<i32>} : memref<128x64xf32, #tpu.memory_space<vmem>>, vector<16xf32>,
          tpu.vector_store %arg8[%swap3A_718, %swap3A_719], %get3A_717 {add = true, strides = array<i32>} : memref<128x64xf32, #tpu.memory_space<vmem>>, vector<16xf32>,
          %get3A_721 = arith.constant 0 : i32
          %get3A_722 = arith.constant 0 : i32
          %get3A_723 = tpu.memref_slice %arg7[%scan3A_236, %get3A_721, %get3A_722] : memref<2x128x64xf32, #tpu.memory_space<vmem>> -> memref<1x128x64xf32, #tpu.memory_space<vmem>>
          %get3A_724 = tpu.memref_squeeze %get3A_723 : memref<1x128x64xf32, #tpu.memory_space<vmem>> -> memref<128x64xf32, #tpu.memory_space<vmem>>
          %get3A_725 = arith.index_cast %scan3A_690 : i32 to index
          %get3A_726 = arith.constant 48 : index
          %get3A_727 = tpu.vector_load %get3A_724[%get3A_725, %get3A_726] {strides = array<i32>} : memref<128x64xf32, #tpu.memory_space<vmem>>, vector<16xf32>,
          %swap3A_728 = arith.index_cast %scan3A_690 : i32 to index
          %swap3A_729 = arith.constant 48 : index
          %swap3A_730 = tpu.vector_load %arg8[%swap3A_728, %swap3A_729] {strides = array<i32>} : memref<128x64xf32, #tpu.memory_space<vmem>>, vector<16xf32>,
          tpu.vector_store %arg8[%swap3A_728, %swap3A_729], %get3A_727 {add = true, strides = array<i32>} : memref<128x64xf32, #tpu.memory_space<vmem>>, vector<16xf32>,
          %scan3A_731 = arith.constant 7 : i32
          %scan3A_732 = arith.addi %scan3A_439, %scan3A_731 : i32
          %get3A_733 = arith.constant 0 : i32
          %get3A_734 = arith.constant 0 : i32
          %get3A_735 = tpu.memref_slice %arg7[%scan3A_236, %get3A_733, %get3A_734] : memref<2x128x64xf32, #tpu.memory_space<vmem>> -> memref<1x128x64xf32, #tpu.memory_space<vmem>>
          %get3A_736 = tpu.memref_squeeze %get3A_735 : memref<1x128x64xf32, #tpu.memory_space<vmem>> -> memref<128x64xf32, #tpu.memory_space<vmem>>
          %get3A_737 = arith.index_cast %scan3A_732 : i32 to index
          %get3A_738 = arith.constant 0 : index
          %get3A_739 = tpu.vector_load %get3A_736[%get3A_737, %get3A_738] {strides = array<i32>} : memref<128x64xf32, #tpu.memory_space<vmem>>, vector<16xf32>,
          %swap3A_740 = arith.index_cast %scan3A_732 : i32 to index
          %swap3A_741 = arith.constant 0 : index
          %swap3A_742 = tpu.vector_load %arg8[%swap3A_740, %swap3A_741] {strides = array<i32>} : memref<128x64xf32, #tpu.memory_space<vmem>>, vector<16xf32>,
          tpu.vector_store %arg8[%swap3A_740, %swap3A_741], %get3A_739 {add = true, strides = array<i32>} : memref<128x64xf32, #tpu.memory_space<vmem>>, vector<16xf32>,
          %get3A_743 = arith.constant 0 : i32
          %get3A_744 = arith.constant 0 : i32
          %get3A_745 = tpu.memref_slice %arg7[%scan3A_236, %get3A_743, %get3A_744] : memref<2x128x64xf32, #tpu.memory_space<vmem>> -> memref<1x128x64xf32, #tpu.memory_space<vmem>>
          %get3A_746 = tpu.memref_squeeze %get3A_745 : memref<1x128x64xf32, #tpu.memory_space<vmem>> -> memref<128x64xf32, #tpu.memory_space<vmem>>
          %get3A_747 = arith.index_cast %scan3A_732 : i32 to index
          %get3A_748 = arith.constant 16 : index
          %get3A_749 = tpu.vector_load %get3A_746[%get3A_747, %get3A_748] {strides = array<i32>} : memref<128x64xf32, #tpu.memory_space<vmem>>, vector<16xf32>,
          %swap3A_750 = arith.index_cast %scan3A_732 : i32 to index
          %swap3A_751 = arith.constant 16 : index
          %swap3A_752 = tpu.vector_load %arg8[%swap3A_750, %swap3A_751] {strides = array<i32>} : memref<128x64xf32, #tpu.memory_space<vmem>>, vector<16xf32>,
          tpu.vector_store %arg8[%swap3A_750, %swap3A_751], %get3A_749 {add = true, strides = array<i32>} : memref<128x64xf32, #tpu.memory_space<vmem>>, vector<16xf32>,
          %get3A_753 = arith.constant 0 : i32
          %get3A_754 = arith.constant 0 : i32
          %get3A_755 = tpu.memref_slice %arg7[%scan3A_236, %get3A_753, %get3A_754] : memref<2x128x64xf32, #tpu.memory_space<vmem>> -> memref<1x128x64xf32, #tpu.memory_space<vmem>>
          %get3A_756 = tpu.memref_squeeze %get3A_755 : memref<1x128x64xf32, #tpu.memory_space<vmem>> -> memref<128x64xf32, #tpu.memory_space<vmem>>
          %get3A_757 = arith.index_cast %scan3A_732 : i32 to index
          %get3A_758 = arith.constant 32 : index
          %get3A_759 = tpu.vector_load %get3A_756[%get3A_757, %get3A_758] {strides = array<i32>} : memref<128x64xf32, #tpu.memory_space<vmem>>, vector<16xf32>,
          %swap3A_760 = arith.index_cast %scan3A_732 : i32 to index
          %swap3A_761 = arith.constant 32 : index
          %swap3A_762 = tpu.vector_load %arg8[%swap3A_760, %swap3A_761] {strides = array<i32>} : memref<128x64xf32, #tpu.memory_space<vmem>>, vector<16xf32>,
          tpu.vector_store %arg8[%swap3A_760, %swap3A_761], %get3A_759 {add = true, strides = array<i32>} : memref<128x64xf32, #tpu.memory_space<vmem>>, vector<16xf32>,
          %get3A_763 = arith.constant 0 : i32
          %get3A_764 = arith.constant 0 : i32
          %get3A_765 = tpu.memref_slice %arg7[%scan3A_236, %get3A_763, %get3A_764] : memref<2x128x64xf32, #tpu.memory_space<vmem>> -> memref<1x128x64xf32, #tpu.memory_space<vmem>>
          %get3A_766 = tpu.memref_squeeze %get3A_765 : memref<1x128x64xf32, #tpu.memory_space<vmem>> -> memref<128x64xf32, #tpu.memory_space<vmem>>
          %get3A_767 = arith.index_cast %scan3A_732 : i32 to index
          %get3A_768 = arith.constant 48 : index
          %get3A_769 = tpu.vector_load %get3A_766[%get3A_767, %get3A_768] {strides = array<i32>} : memref<128x64xf32, #tpu.memory_space<vmem>>, vector<16xf32>,
          %swap3A_770 = arith.index_cast %scan3A_732 : i32 to index
          %swap3A_771 = arith.constant 48 : index
          %swap3A_772 = tpu.vector_load %arg8[%swap3A_770, %swap3A_771] {strides = array<i32>} : memref<128x64xf32, #tpu.memory_space<vmem>>, vector<16xf32>,
          tpu.vector_store %arg8[%swap3A_770, %swap3A_771], %get3A_769 {add = true, strides = array<i32>} : memref<128x64xf32, #tpu.memory_space<vmem>>, vector<16xf32>,
        }
        %scan3A_241 = arith.constant 128 : i32
        %add3A_242 = arith.constant 2 : i32
        %add3A_243 = arith.addi %add3A_219, %add3A_242 : i32
        %min3A = arith.constant 199 : i32
        %min3A_244 = arith.minsi %add3A_243, %min3A : i32
        %iota3A_245 = tpu.iota {dimensions = array<i32: 0>} : vector<16xi32>
        %mul3A_246 = arith.constant 200 : i32
        %mul3A_247 = vector.broadcast %mul3A_246 : i32 to vector<16xi32>
        %mul3A_248 = arith.muli %iota3A_245, %mul3A_247 : vector<16xi32>
        %add3A_249 = vector.broadcast %min3A_244 : i32 to vector<16xi32>
        %add3A_250 = arith.addi %mul3A_248, %add3A_249 : vector<16xi32>
        %add3A_251 = arith.constant 0 : i32
        %add3A_252 = vector.broadcast %add3A_251 : i32 to vector<16xi32>
        %add3A_253 = arith.addi %add3A_250, %add3A_252 : vector<16xi32>
        %gather3A_254 = tpu.vector_load_idx %arg5[%add3A_253] : memref<25600xi32, #tpu.memory_space<vmem>>[vector<16xi32>], vector<16xi32>,
        %swap3A_255 = arith.constant 0 : i32
        %swap3A_256 = arith.index_cast %swap3A_255 : i32 to index
        %swap3A_257 = arith.constant 0 : index
        %swap3A_258 = tpu.vector_load %arg6[%swap3A_256, %swap3A_257] {strides = array<i32>} : memref<2x128xi32, #tpu.memory_space<vmem>>, vector<16xi32>,
        tpu.vector_store %arg6[%swap3A_256, %swap3A_257], %gather3A_254 {strides = array<i32>} : memref<2x128xi32, #tpu.memory_space<vmem>>, vector<16xi32>,
        %add3A_259 = arith.constant 3200 : i32
        %add3A_260 = vector.broadcast %add3A_259 : i32 to vector<16xi32>
        %add3A_261 = arith.addi %add3A_250, %add3A_260 : vector<16xi32>
        %gather3A_262 = tpu.vector_load_idx %arg5[%add3A_261] : memref<25600xi32, #tpu.memory_space<vmem>>[vector<16xi32>], vector<16xi32>,
        %swap3A_263 = arith.constant 0 : i32
        %swap3A_264 = arith.index_cast %swap3A_263 : i32 to index
        %swap3A_265 = arith.constant 16 : index
        %swap3A_266 = tpu.vector_load %arg6[%swap3A_264, %swap3A_265] {strides = array<i32>} : memref<2x128xi32, #tpu.memory_space<vmem>>, vector<16xi32>,
        tpu.vector_store %arg6[%swap3A_264, %swap3A_265], %gather3A_262 {strides = array<i32>} : memref<2x128xi32, #tpu.memory_space<vmem>>, vector<16xi32>,
        %add3A_267 = arith.constant 6400 : i32
        %add3A_268 = vector.broadcast %add3A_267 : i32 to vector<16xi32>
        %add3A_269 = arith.addi %add3A_250, %add3A_268 : vector<16xi32>
        %gather3A_270 = tpu.vector_load_idx %arg5[%add3A_269] : memref<25600xi32, #tpu.memory_space<vmem>>[vector<16xi32>], vector<16xi32>,
        %swap3A_271 = arith.constant 0 : i32
        %swap3A_272 = arith.index_cast %swap3A_271 : i32 to index
        %swap3A_273 = arith.constant 32 : index
        %swap3A_274 = tpu.vector_load %arg6[%swap3A_272, %swap3A_273] {strides = array<i32>} : memref<2x128xi32, #tpu.memory_space<vmem>>, vector<16xi32>,
        tpu.vector_store %arg6[%swap3A_272, %swap3A_273], %gather3A_270 {strides = array<i32>} : memref<2x128xi32, #tpu.memory_space<vmem>>, vector<16xi32>,
        %add3A_275 = arith.constant 9600 : i32
        %add3A_276 = vector.broadcast %add3A_275 : i32 to vector<16xi32>
        %add3A_277 = arith.addi %add3A_250, %add3A_276 : vector<16xi32>
        %gather3A_278 = tpu.vector_load_idx %arg5[%add3A_277] : memref<25600xi32, #tpu.memory_space<vmem>>[vector<16xi32>], vector<16xi32>,
        %swap3A_279 = arith.constant 0 : i32
        %swap3A_280 = arith.index_cast %swap3A_279 : i32 to index
        %swap3A_281 = arith.constant 48 : index
        %swap3A_282 = tpu.vector_load %arg6[%swap3A_280, %swap3A_281] {strides = array<i32>} : memref<2x128xi32, #tpu.memory_space<vmem>>, vector<16xi32>,
        tpu.vector_store %arg6[%swap3A_280, %swap3A_281], %gather3A_278 {strides = array<i32>} : memref<2x128xi32, #tpu.memory_space<vmem>>, vector<16xi32>,
        %add3A_283 = arith.constant 12800 : i32
        %add3A_284 = vector.broadcast %add3A_283 : i32 to vector<16xi32>
        %add3A_285 = arith.addi %add3A_250, %add3A_284 : vector<16xi32>
        %gather3A_286 = tpu.vector_load_idx %arg5[%add3A_285] : memref<25600xi32, #tpu.memory_space<vmem>>[vector<16xi32>], vector<16xi32>,
        %swap3A_287 = arith.constant 0 : i32
        %swap3A_288 = arith.index_cast %swap3A_287 : i32 to index
        %swap3A_289 = arith.constant 64 : index
        %swap3A_290 = tpu.vector_load %arg6[%swap3A_288, %swap3A_289] {strides = array<i32>} : memref<2x128xi32, #tpu.memory_space<vmem>>, vector<16xi32>,
        tpu.vector_store %arg6[%swap3A_288, %swap3A_289], %gather3A_286 {strides = array<i32>} : memref<2x128xi32, #tpu.memory_space<vmem>>, vector<16xi32>,
        %add3A_291 = arith.constant 16000 : i32
        %add3A_292 = vector.broadcast %add3A_291 : i32 to vector<16xi32>
        %add3A_293 = arith.addi %add3A_250, %add3A_292 : vector<16xi32>
        %gather3A_294 = tpu.vector_load_idx %arg5[%add3A_293] : memref<25600xi32, #tpu.memory_space<vmem>>[vector<16xi32>], vector<16xi32>,
        %swap3A_295 = arith.constant 0 : i32
        %swap3A_296 = arith.index_cast %swap3A_295 : i32 to index
        %swap3A_297 = arith.constant 80 : index
        %swap3A_298 = tpu.vector_load %arg6[%swap3A_296, %swap3A_297] {strides = array<i32>} : memref<2x128xi32, #tpu.memory_space<vmem>>, vector<16xi32>,
        tpu.vector_store %arg6[%swap3A_296, %swap3A_297], %gather3A_294 {strides = array<i32>} : memref<2x128xi32, #tpu.memory_space<vmem>>, vector<16xi32>,
        %add3A_299 = arith.constant 19200 : i32
        %add3A_300 = vector.broadcast %add3A_299 : i32 to vector<16xi32>
        %add3A_301 = arith.addi %add3A_250, %add3A_300 : vector<16xi32>
        %gather3A_302 = tpu.vector_load_idx %arg5[%add3A_301] : memref<25600xi32, #tpu.memory_space<vmem>>[vector<16xi32>], vector<16xi32>,
        %swap3A_303 = arith.constant 0 : i32
        %swap3A_304 = arith.index_cast %swap3A_303 : i32 to index
        %swap3A_305 = arith.constant 96 : index
        %swap3A_306 = tpu.vector_load %arg6[%swap3A_304, %swap3A_305] {strides = array<i32>} : memref<2x128xi32, #tpu.memory_space<vmem>>, vector<16xi32>,
        tpu.vector_store %arg6[%swap3A_304, %swap3A_305], %gather3A_302 {strides = array<i32>} : memref<2x128xi32, #tpu.memory_space<vmem>>, vector<16xi32>,
        %add3A_307 = arith.constant 22400 : i32
        %add3A_308 = vector.broadcast %add3A_307 : i32 to vector<16xi32>
        %add3A_309 = arith.addi %add3A_250, %add3A_308 : vector<16xi32>
        %gather3A_310 = tpu.vector_load_idx %arg5[%add3A_309] : memref<25600xi32, #tpu.memory_space<vmem>>[vector<16xi32>], vector<16xi32>,
        %swap3A_311 = arith.constant 0 : i32
        %swap3A_312 = arith.index_cast %swap3A_311 : i32 to index
        %swap3A_313 = arith.constant 112 : index
        %swap3A_314 = tpu.vector_load %arg6[%swap3A_312, %swap3A_313] {strides = array<i32>} : memref<2x128xi32, #tpu.memory_space<vmem>>, vector<16xi32>,
        tpu.vector_store %arg6[%swap3A_312, %swap3A_313], %gather3A_310 {strides = array<i32>} : memref<2x128xi32, #tpu.memory_space<vmem>>, vector<16xi32>,
        %dma_start3A_315 = arith.constant 0 : i32
        %dma_start3A_316 = arith.constant 0 : i32
        %dma_start3A_317 = arith.constant 0 : i32
        %dma_start3A_318 = arith.constant 0 : i32
        %dma_start3A_319 = tpu.memref_slice %arg7[%dma_start3A_316, %dma_start3A_317, %dma_start3A_318] : memref<2x128x64xf32, #tpu.memory_space<vmem>> -> memref<1x128x64xf32, #tpu.memory_space<vmem>>
        %dma_start3A_320 = tpu.memref_squeeze %dma_start3A_319 : memref<1x128x64xf32, #tpu.memory_space<vmem>> -> memref<128x64xf32, #tpu.memory_space<vmem>>
        %dma_start3A_321 = arith.constant 0 : i32
        %dma_start3A_322 = tpu.memref_slice %arg6[%dma_start3A_315, %dma_start3A_321] : memref<2x128xi32, #tpu.memory_space<vmem>> -> memref<1x128xi32, #tpu.memory_space<vmem>>
        %dma_start3A_323 = tpu.memref_squeeze %dma_start3A_322 : memref<1x128xi32, #tpu.memory_space<vmem>> -> memref<128xi32, #tpu.memory_space<vmem>>
        %dma_start3A_324 = arith.constant 0 : i32
        %dma_start3A_325 = arith.constant 0 : i32
        %dma_start3A_326 = tpu.memref_slice %arg3[%dma_start3A_324, %dma_start3A_325] : memref<1000000x64xf32, #tpu.memory_space<hbm>> -> memref<1000000x64xf32, #tpu.memory_space<hbm>>
        tpu.enqueue_indirect_dma source(%dma_start3A_326 : memref<1000000x64xf32, #tpu.memory_space<hbm>>) target(%dma_start3A_320 : memref<128x64xf32, #tpu.memory_space<vmem>>) offsets(%dma_start3A_323 : memref<128xi32, #tpu.memory_space<vmem>>) semaphore(%arg9 : memref<!tpu.dma_semaphore, #tpu.memory_space<semaphore_mem>>)
        %mul3A_327 = arith.constant 2 : i32
        %mul3A_328 = arith.muli %scan3A_215, %mul3A_327 : i32
        %add3A_329 = arith.constant 1 : i32
        %add3A_330 = arith.addi %mul3A_328, %add3A_329 : i32
        %dma_wait3A_331 = arith.constant 1 : i32
        %dma_wait3A_332 = arith.constant 0 : i32
        %dma_wait3A_333 = arith.constant 0 : i32
        %dma_wait3A_334 = tpu.memref_slice %arg7[%dma_wait3A_331, %dma_wait3A_332, %dma_wait3A_333] : memref<2x128x64xf32, #tpu.memory_space<vmem>> -> memref<1x128x64xf32, #tpu.memory_space<vmem>>
        %dma_wait3A_335 = tpu.memref_squeeze %dma_wait3A_334 : memref<1x128x64xf32, #tpu.memory_space<vmem>> -> memref<128x64xf32, #tpu.memory_space<vmem>>
        %dma_wait3A_336 = arith.constant 0 : i32
        %dma_wait3A_337 = arith.constant 0 : i32
        %dma_wait3A_338 = tpu.memref_slice %arg3[%dma_wait3A_336, %dma_wait3A_337] : memref<1000000x64xf32, #tpu.memory_space<hbm>> -> memref<128x64xf32, #tpu.memory_space<hbm>>
        %dma_wait3A_339 = arith.constant 0 : i32
        %dma_wait3A_340 = arith.constant 0 : i32
        %dma_wait3A_341 = tpu.memref_slice %arg7[%dma_wait3A_331, %dma_wait3A_339, %dma_wait3A_340] : memref<2x128x64xf32, #tpu.memory_space<vmem>> -> memref<1x128x64xf32, #tpu.memory_space<vmem>>
        %dma_wait3A_342 = tpu.memref_squeeze %dma_wait3A_341 : memref<1x128x64xf32, #tpu.memory_space<vmem>> -> memref<128x64xf32, #tpu.memory_space<vmem>>
        %dma_wait3A_343 = arith.constant 0 : i32
        %dma_wait3A_344 = arith.constant 0 : i32
        %dma_wait3A_345 = tpu.memref_slice %arg3[%dma_wait3A_343, %dma_wait3A_344] : memref<1000000x64xf32, #tpu.memory_space<hbm>> -> memref<128x64xf32, #tpu.memory_space<hbm>>
        tpu.wait_dma2 semaphore(%arg10 : memref<!tpu.dma_semaphore, #tpu.memory_space<semaphore_mem>>) src(%dma_wait3A_345 : memref<128x64xf32, #tpu.memory_space<hbm>>) dst(%dma_wait3A_342 : memref<128x64xf32, #tpu.memory_space<vmem>>)
        %scan3A_346 = arith.constant 0 : i32
        %scan3A_347 = arith.constant 1 : i32
        %scan3A_348 = arith.constant 0 : i32
        %scan3A_349 = arith.constant 128 : i32
        %scan3A_350 = arith.addi %scan3A_348, %scan3A_349 : i32
        %scan3A_351 = arith.constant 8 : i32
        scf.for %scan3A_439 = %scan3A_348 to %scan3A_350 step %scan3A_351  : i32 {
          %get3A = arith.constant 0 : i32
          %get3A_440 = arith.constant 0 : i32
          %get3A_441 = tpu.memref_slice %arg7[%scan3A_347, %get3A, %get3A_440] : memref<2x128x64xf32, #tpu.memory_space<vmem>> -> memref<1x128x64xf32, #tpu.memory_space<vmem>>
          %get3A_442 = tpu.memref_squeeze %get3A_441 : memref<1x128x64xf32, #tpu.memory_space<vmem>> -> memref<128x64xf32, #tpu.memory_space<vmem>>
          %get3A_443 = arith.index_cast %scan3A_439 : i32 to index
          %get3A_444 = arith.constant 0 : index
          %get3A_445 = tpu.vector_load %get3A_442[%get3A_443, %get3A_444] {strides = array<i32>} : memref<128x64xf32, #tpu.memory_space<vmem>>, vector<16xf32>,
          %swap3A_446 = arith.index_cast %scan3A_439 : i32 to index
          %swap3A_447 = arith.constant 0 : index
          %swap3A_448 = tpu.vector_load %arg8[%swap3A_446, %swap3A_447] {strides = array<i32>} : memref<128x64xf32, #tpu.memory_space<vmem>>, vector<16xf32>,
          tpu.vector_store %arg8[%swap3A_446, %swap3A_447], %get3A_445 {add = true, strides = array<i32>} : memref<128x64xf32, #tpu.memory_space<vmem>>, vector<16xf32>,
          %get3A_449 = arith.constant 0 : i32
          %get3A_450 = arith.constant 0 : i32
          %get3A_451 = tpu.memref_slice %arg7[%scan3A_347, %get3A_449, %get3A_450] : memref<2x128x64xf32, #tpu.memory_space<vmem>> -> memref<1x128x64xf32, #tpu.memory_space<vmem>>
          %get3A_452 = tpu.memref_squeeze %get3A_451 : memref<1x128x64xf32, #tpu.memory_space<vmem>> -> memref<128x64xf32, #tpu.memory_space<vmem>>
          %get3A_453 = arith.index_cast %scan3A_439 : i32 to index
          %get3A_454 = arith.constant 16 : index
          %get3A_455 = tpu.vector_load %get3A_452[%get3A_453, %get3A_454] {strides = array<i32>} : memref<128x64xf32, #tpu.memory_space<vmem>>, vector<16xf32>,
          %swap3A_456 = arith.index_cast %scan3A_439 : i32 to index
          %swap3A_457 = arith.constant 16 : index
          %swap3A_458 = tpu.vector_load %arg8[%swap3A_456, %swap3A_457] {strides = array<i32>} : memref<128x64xf32, #tpu.memory_space<vmem>>, vector<16xf32>,
          tpu.vector_store %arg8[%swap3A_456, %swap3A_457], %get3A_455 {add = true, strides = array<i32>} : memref<128x64xf32, #tpu.memory_space<vmem>>, vector<16xf32>,
          %get3A_459 = arith.constant 0 : i32
          %get3A_460 = arith.constant 0 : i32
          %get3A_461 = tpu.memref_slice %arg7[%scan3A_347, %get3A_459, %get3A_460] : memref<2x128x64xf32, #tpu.memory_space<vmem>> -> memref<1x128x64xf32, #tpu.memory_space<vmem>>
          %get3A_462 = tpu.memref_squeeze %get3A_461 : memref<1x128x64xf32, #tpu.memory_space<vmem>> -> memref<128x64xf32, #tpu.memory_space<vmem>>
          %get3A_463 = arith.index_cast %scan3A_439 : i32 to index
          %get3A_464 = arith.constant 32 : index
          %get3A_465 = tpu.vector_load %get3A_462[%get3A_463, %get3A_464] {strides = array<i32>} : memref<128x64xf32, #tpu.memory_space<vmem>>, vector<16xf32>,
          %swap3A_466 = arith.index_cast %scan3A_439 : i32 to index
          %swap3A_467 = arith.constant 32 : index
          %swap3A_468 = tpu.vector_load %arg8[%swap3A_466, %swap3A_467] {strides = array<i32>} : memref<128x64xf32, #tpu.memory_space<vmem>>, vector<16xf32>,
          tpu.vector_store %arg8[%swap3A_466, %swap3A_467], %get3A_465 {add = true, strides = array<i32>} : memref<128x64xf32, #tpu.memory_space<vmem>>, vector<16xf32>,
          %get3A_469 = arith.constant 0 : i32
          %get3A_470 = arith.constant 0 : i32
          %get3A_471 = tpu.memref_slice %arg7[%scan3A_347, %get3A_469, %get3A_470] : memref<2x128x64xf32, #tpu.memory_space<vmem>> -> memref<1x128x64xf32, #tpu.memory_space<vmem>>
          %get3A_472 = tpu.memref_squeeze %get3A_471 : memref<1x128x64xf32, #tpu.memory_space<vmem>> -> memref<128x64xf32, #tpu.memory_space<vmem>>
          %get3A_473 = arith.index_cast %scan3A_439 : i32 to index
          %get3A_474 = arith.constant 48 : index
          %get3A_475 = tpu.vector_load %get3A_472[%get3A_473, %get3A_474] {strides = array<i32>} : memref<128x64xf32, #tpu.memory_space<vmem>>, vector<16xf32>,
          %swap3A_476 = arith.index_cast %scan3A_439 : i32 to index
          %swap3A_477 = arith.constant 48 : index
          %swap3A_478 = tpu.vector_load %arg8[%swap3A_476, %swap3A_477] {strides = array<i32>} : memref<128x64xf32, #tpu.memory_space<vmem>>, vector<16xf32>,
          tpu.vector_store %arg8[%swap3A_476, %swap3A_477], %get3A_475 {add = true, strides = array<i32>} : memref<128x64xf32, #tpu.memory_space<vmem>>, vector<16xf32>,
          %scan3A_479 = arith.constant 1 : i32
          %scan3A_480 = arith.addi %scan3A_439, %scan3A_479 : i32
          %get3A_481 = arith.constant 0 : i32
          %get3A_482 = arith.constant 0 : i32
          %get3A_483 = tpu.memref_slice %arg7[%scan3A_347, %get3A_481, %get3A_482] : memref<2x128x64xf32, #tpu.memory_space<vmem>> -> memref<1x128x64xf32, #tpu.memory_space<vmem>>
          %get3A_484 = tpu.memref_squeeze %get3A_483 : memref<1x128x64xf32, #tpu.memory_space<vmem>> -> memref<128x64xf32, #tpu.memory_space<vmem>>
          %get3A_485 = arith.index_cast %scan3A_480 : i32 to index
          %get3A_486 = arith.constant 0 : index
          %get3A_487 = tpu.vector_load %get3A_484[%get3A_485, %get3A_486] {strides = array<i32>} : memref<128x64xf32, #tpu.memory_space<vmem>>, vector<16xf32>,
          %swap3A_488 = arith.index_cast %scan3A_480 : i32 to index
          %swap3A_489 = arith.constant 0 : index
          %swap3A_490 = tpu.vector_load %arg8[%swap3A_488, %swap3A_489] {strides = array<i32>} : memref<128x64xf32, #tpu.memory_space<vmem>>, vector<16xf32>,
          tpu.vector_store %arg8[%swap3A_488, %swap3A_489], %get3A_487 {add = true, strides = array<i32>} : memref<128x64xf32, #tpu.memory_space<vmem>>, vector<16xf32>,
          %get3A_491 = arith.constant 0 : i32
          %get3A_492 = arith.constant 0 : i32
          %get3A_493 = tpu.memref_slice %arg7[%scan3A_347, %get3A_491, %get3A_492] : memref<2x128x64xf32, #tpu.memory_space<vmem>> -> memref<1x128x64xf32, #tpu.memory_space<vmem>>
          %get3A_494 = tpu.memref_squeeze %get3A_493 : memref<1x128x64xf32, #tpu.memory_space<vmem>> -> memref<128x64xf32, #tpu.memory_space<vmem>>
          %get3A_495 = arith.index_cast %scan3A_480 : i32 to index
          %get3A_496 = arith.constant 16 : index
          %get3A_497 = tpu.vector_load %get3A_494[%get3A_495, %get3A_496] {strides = array<i32>} : memref<128x64xf32, #tpu.memory_space<vmem>>, vector<16xf32>,
          %swap3A_498 = arith.index_cast %scan3A_480 : i32 to index
          %swap3A_499 = arith.constant 16 : index
          %swap3A_500 = tpu.vector_load %arg8[%swap3A_498, %swap3A_499] {strides = array<i32>} : memref<128x64xf32, #tpu.memory_space<vmem>>, vector<16xf32>,
          tpu.vector_store %arg8[%swap3A_498, %swap3A_499], %get3A_497 {add = true, strides = array<i32>} : memref<128x64xf32, #tpu.memory_space<vmem>>, vector<16xf32>,
          %get3A_501 = arith.constant 0 : i32
          %get3A_502 = arith.constant 0 : i32
          %get3A_503 = tpu.memref_slice %arg7[%scan3A_347, %get3A_501, %get3A_502] : memref<2x128x64xf32, #tpu.memory_space<vmem>> -> memref<1x128x64xf32, #tpu.memory_space<vmem>>
          %get3A_504 = tpu.memref_squeeze %get3A_503 : memref<1x128x64xf32, #tpu.memory_space<vmem>> -> memref<128x64xf32, #tpu.memory_space<vmem>>
          %get3A_505 = arith.index_cast %scan3A_480 : i32 to index
          %get3A_506 = arith.constant 32 : index
          %get3A_507 = tpu.vector_load %get3A_504[%get3A_505, %get3A_506] {strides = array<i32>} : memref<128x64xf32, #tpu.memory_space<vmem>>, vector<16xf32>,
          %swap3A_508 = arith.index_cast %scan3A_480 : i32 to index
          %swap3A_509 = arith.constant 32 : index
          %swap3A_510 = tpu.vector_load %arg8[%swap3A_508, %swap3A_509] {strides = array<i32>} : memref<128x64xf32, #tpu.memory_space<vmem>>, vector<16xf32>,
          tpu.vector_store %arg8[%swap3A_508, %swap3A_509], %get3A_507 {add = true, strides = array<i32>} : memref<128x64xf32, #tpu.memory_space<vmem>>, vector<16xf32>,
          %get3A_511 = arith.constant 0 : i32
          %get3A_512 = arith.constant 0 : i32
          %get3A_513 = tpu.memref_slice %arg7[%scan3A_347, %get3A_511, %get3A_512] : memref<2x128x64xf32, #tpu.memory_space<vmem>> -> memref<1x128x64xf32, #tpu.memory_space<vmem>>
          %get3A_514 = tpu.memref_squeeze %get3A_513 : memref<1x128x64xf32, #tpu.memory_space<vmem>> -> memref<128x64xf32, #tpu.memory_space<vmem>>
          %get3A_515 = arith.index_cast %scan3A_480 : i32 to index
          %get3A_516 = arith.constant 48 : index
          %get3A_517 = tpu.vector_load %get3A_514[%get3A_515, %get3A_516] {strides = array<i32>} : memref<128x64xf32, #tpu.memory_space<vmem>>, vector<16xf32>,
          %swap3A_518 = arith.index_cast %scan3A_480 : i32 to index
          %swap3A_519 = arith.constant 48 : index
          %swap3A_520 = tpu.vector_load %arg8[%swap3A_518, %swap3A_519] {strides = array<i32>} : memref<128x64xf32, #tpu.memory_space<vmem>>, vector<16xf32>,
          tpu.vector_store %arg8[%swap3A_518, %swap3A_519], %get3A_517 {add = true, strides = array<i32>} : memref<128x64xf32, #tpu.memory_space<vmem>>, vector<16xf32>,
          %scan3A_521 = arith.constant 2 : i32
          %scan3A_522 = arith.addi %scan3A_439, %scan3A_521 : i32
          %get3A_523 = arith.constant 0 : i32
          %get3A_524 = arith.constant 0 : i32
          %get3A_525 = tpu.memref_slice %arg7[%scan3A_347, %get3A_523, %get3A_524] : memref<2x128x64xf32, #tpu.memory_space<vmem>> -> memref<1x128x64xf32, #tpu.memory_space<vmem>>
          %get3A_526 = tpu.memref_squeeze %get3A_525 : memref<1x128x64xf32, #tpu.memory_space<vmem>> -> memref<128x64xf32, #tpu.memory_space<vmem>>
          %get3A_527 = arith.index_cast %scan3A_522 : i32 to index
          %get3A_528 = arith.constant 0 : index
          %get3A_529 = tpu.vector_load %get3A_526[%get3A_527, %get3A_528] {strides = array<i32>} : memref<128x64xf32, #tpu.memory_space<vmem>>, vector<16xf32>,
          %swap3A_530 = arith.index_cast %scan3A_522 : i32 to index
          %swap3A_531 = arith.constant 0 : index
          %swap3A_532 = tpu.vector_load %arg8[%swap3A_530, %swap3A_531] {strides = array<i32>} : memref<128x64xf32, #tpu.memory_space<vmem>>, vector<16xf32>,
          tpu.vector_store %arg8[%swap3A_530, %swap3A_531], %get3A_529 {add = true, strides = array<i32>} : memref<128x64xf32, #tpu.memory_space<vmem>>, vector<16xf32>,
          %get3A_533 = arith.constant 0 : i32
          %get3A_534 = arith.constant 0 : i32
          %get3A_535 = tpu.memref_slice %arg7[%scan3A_347, %get3A_533, %get3A_534] : memref<2x128x64xf32, #tpu.memory_space<vmem>> -> memref<1x128x64xf32, #tpu.memory_space<vmem>>
          %get3A_536 = tpu.memref_squeeze %get3A_535 : memref<1x128x64xf32, #tpu.memory_space<vmem>> -> memref<128x64xf32, #tpu.memory_space<vmem>>
          %get3A_537 = arith.index_cast %scan3A_522 : i32 to index
          %get3A_538 = arith.constant 16 : index
          %get3A_539 = tpu.vector_load %get3A_536[%get3A_537, %get3A_538] {strides = array<i32>} : memref<128x64xf32, #tpu.memory_space<vmem>>, vector<16xf32>,
          %swap3A_540 = arith.index_cast %scan3A_522 : i32 to index
          %swap3A_541 = arith.constant 16 : index
          %swap3A_542 = tpu.vector_load %arg8[%swap3A_540, %swap3A_541] {strides = array<i32>} : memref<128x64xf32, #tpu.memory_space<vmem>>, vector<16xf32>,
          tpu.vector_store %arg8[%swap3A_540, %swap3A_541], %get3A_539 {add = true, strides = array<i32>} : memref<128x64xf32, #tpu.memory_space<vmem>>, vector<16xf32>,
          %get3A_543 = arith.constant 0 : i32
          %get3A_544 = arith.constant 0 : i32
          %get3A_545 = tpu.memref_slice %arg7[%scan3A_347, %get3A_543, %get3A_544] : memref<2x128x64xf32, #tpu.memory_space<vmem>> -> memref<1x128x64xf32, #tpu.memory_space<vmem>>
          %get3A_546 = tpu.memref_squeeze %get3A_545 : memref<1x128x64xf32, #tpu.memory_space<vmem>> -> memref<128x64xf32, #tpu.memory_space<vmem>>
          %get3A_547 = arith.index_cast %scan3A_522 : i32 to index
          %get3A_548 = arith.constant 32 : index
          %get3A_549 = tpu.vector_load %get3A_546[%get3A_547, %get3A_548] {strides = array<i32>} : memref<128x64xf32, #tpu.memory_space<vmem>>, vector<16xf32>,
          %swap3A_550 = arith.index_cast %scan3A_522 : i32 to index
          %swap3A_551 = arith.constant 32 : index
          %swap3A_552 = tpu.vector_load %arg8[%swap3A_550, %swap3A_551] {strides = array<i32>} : memref<128x64xf32, #tpu.memory_space<vmem>>, vector<16xf32>,
          tpu.vector_store %arg8[%swap3A_550, %swap3A_551], %get3A_549 {add = true, strides = array<i32>} : memref<128x64xf32, #tpu.memory_space<vmem>>, vector<16xf32>,
          %get3A_553 = arith.constant 0 : i32
          %get3A_554 = arith.constant 0 : i32
          %get3A_555 = tpu.memref_slice %arg7[%scan3A_347, %get3A_553, %get3A_554] : memref<2x128x64xf32, #tpu.memory_space<vmem>> -> memref<1x128x64xf32, #tpu.memory_space<vmem>>
          %get3A_556 = tpu.memref_squeeze %get3A_555 : memref<1x128x64xf32, #tpu.memory_space<vmem>> -> memref<128x64xf32, #tpu.memory_space<vmem>>
          %get3A_557 = arith.index_cast %scan3A_522 : i32 to index
          %get3A_558 = arith.constant 48 : index
          %get3A_559 = tpu.vector_load %get3A_556[%get3A_557, %get3A_558] {strides = array<i32>} : memref<128x64xf32, #tpu.memory_space<vmem>>, vector<16xf32>,
          %swap3A_560 = arith.index_cast %scan3A_522 : i32 to index
          %swap3A_561 = arith.constant 48 : index
          %swap3A_562 = tpu.vector_load %arg8[%swap3A_560, %swap3A_561] {strides = array<i32>} : memref<128x64xf32, #tpu.memory_space<vmem>>, vector<16xf32>,
          tpu.vector_store %arg8[%swap3A_560, %swap3A_561], %get3A_559 {add = true, strides = array<i32>} : memref<128x64xf32, #tpu.memory_space<vmem>>, vector<16xf32>,
          %scan3A_563 = arith.constant 3 : i32
          %scan3A_564 = arith.addi %scan3A_439, %scan3A_563 : i32
          %get3A_565 = arith.constant 0 : i32
          %get3A_566 = arith.constant 0 : i32
          %get3A_567 = tpu.memref_slice %arg7[%scan3A_347, %get3A_565, %get3A_566] : memref<2x128x64xf32, #tpu.memory_space<vmem>> -> memref<1x128x64xf32, #tpu.memory_space<vmem>>
          %get3A_568 = tpu.memref_squeeze %get3A_567 : memref<1x128x64xf32, #tpu.memory_space<vmem>> -> memref<128x64xf32, #tpu.memory_space<vmem>>
          %get3A_569 = arith.index_cast %scan3A_564 : i32 to index
          %get3A_570 = arith.constant 0 : index
          %get3A_571 = tpu.vector_load %get3A_568[%get3A_569, %get3A_570] {strides = array<i32>} : memref<128x64xf32, #tpu.memory_space<vmem>>, vector<16xf32>,
          %swap3A_572 = arith.index_cast %scan3A_564 : i32 to index
          %swap3A_573 = arith.constant 0 : index
          %swap3A_574 = tpu.vector_load %arg8[%swap3A_572, %swap3A_573] {strides = array<i32>} : memref<128x64xf32, #tpu.memory_space<vmem>>, vector<16xf32>,
          tpu.vector_store %arg8[%swap3A_572, %swap3A_573], %get3A_571 {add = true, strides = array<i32>} : memref<128x64xf32, #tpu.memory_space<vmem>>, vector<16xf32>,
          %get3A_575 = arith.constant 0 : i32
          %get3A_576 = arith.constant 0 : i32
          %get3A_577 = tpu.memref_slice %arg7[%scan3A_347, %get3A_575, %get3A_576] : memref<2x128x64xf32, #tpu.memory_space<vmem>> -> memref<1x128x64xf32, #tpu.memory_space<vmem>>
          %get3A_578 = tpu.memref_squeeze %get3A_577 : memref<1x128x64xf32, #tpu.memory_space<vmem>> -> memref<128x64xf32, #tpu.memory_space<vmem>>
          %get3A_579 = arith.index_cast %scan3A_564 : i32 to index
          %get3A_580 = arith.constant 16 : index
          %get3A_581 = tpu.vector_load %get3A_578[%get3A_579, %get3A_580] {strides = array<i32>} : memref<128x64xf32, #tpu.memory_space<vmem>>, vector<16xf32>,
          %swap3A_582 = arith.index_cast %scan3A_564 : i32 to index
          %swap3A_583 = arith.constant 16 : index
          %swap3A_584 = tpu.vector_load %arg8[%swap3A_582, %swap3A_583] {strides = array<i32>} : memref<128x64xf32, #tpu.memory_space<vmem>>, vector<16xf32>,
          tpu.vector_store %arg8[%swap3A_582, %swap3A_583], %get3A_581 {add = true, strides = array<i32>} : memref<128x64xf32, #tpu.memory_space<vmem>>, vector<16xf32>,
          %get3A_585 = arith.constant 0 : i32
          %get3A_586 = arith.constant 0 : i32
          %get3A_587 = tpu.memref_slice %arg7[%scan3A_347, %get3A_585, %get3A_586] : memref<2x128x64xf32, #tpu.memory_space<vmem>> -> memref<1x128x64xf32, #tpu.memory_space<vmem>>
          %get3A_588 = tpu.memref_squeeze %get3A_587 : memref<1x128x64xf32, #tpu.memory_space<vmem>> -> memref<128x64xf32, #tpu.memory_space<vmem>>
          %get3A_589 = arith.index_cast %scan3A_564 : i32 to index
          %get3A_590 = arith.constant 32 : index
          %get3A_591 = tpu.vector_load %get3A_588[%get3A_589, %get3A_590] {strides = array<i32>} : memref<128x64xf32, #tpu.memory_space<vmem>>, vector<16xf32>,
          %swap3A_592 = arith.index_cast %scan3A_564 : i32 to index
          %swap3A_593 = arith.constant 32 : index
          %swap3A_594 = tpu.vector_load %arg8[%swap3A_592, %swap3A_593] {strides = array<i32>} : memref<128x64xf32, #tpu.memory_space<vmem>>, vector<16xf32>,
          tpu.vector_store %arg8[%swap3A_592, %swap3A_593], %get3A_591 {add = true, strides = array<i32>} : memref<128x64xf32, #tpu.memory_space<vmem>>, vector<16xf32>,
          %get3A_595 = arith.constant 0 : i32
          %get3A_596 = arith.constant 0 : i32
          %get3A_597 = tpu.memref_slice %arg7[%scan3A_347, %get3A_595, %get3A_596] : memref<2x128x64xf32, #tpu.memory_space<vmem>> -> memref<1x128x64xf32, #tpu.memory_space<vmem>>
          %get3A_598 = tpu.memref_squeeze %get3A_597 : memref<1x128x64xf32, #tpu.memory_space<vmem>> -> memref<128x64xf32, #tpu.memory_space<vmem>>
          %get3A_599 = arith.index_cast %scan3A_564 : i32 to index
          %get3A_600 = arith.constant 48 : index
          %get3A_601 = tpu.vector_load %get3A_598[%get3A_599, %get3A_600] {strides = array<i32>} : memref<128x64xf32, #tpu.memory_space<vmem>>, vector<16xf32>,
          %swap3A_602 = arith.index_cast %scan3A_564 : i32 to index
          %swap3A_603 = arith.constant 48 : index
          %swap3A_604 = tpu.vector_load %arg8[%swap3A_602, %swap3A_603] {strides = array<i32>} : memref<128x64xf32, #tpu.memory_space<vmem>>, vector<16xf32>,
          tpu.vector_store %arg8[%swap3A_602, %swap3A_603], %get3A_601 {add = true, strides = array<i32>} : memref<128x64xf32, #tpu.memory_space<vmem>>, vector<16xf32>,
          %scan3A_605 = arith.constant 4 : i32
          %scan3A_606 = arith.addi %scan3A_439, %scan3A_605 : i32
          %get3A_607 = arith.constant 0 : i32
          %get3A_608 = arith.constant 0 : i32
          %get3A_609 = tpu.memref_slice %arg7[%scan3A_347, %get3A_607, %get3A_608] : memref<2x128x64xf32, #tpu.memory_space<vmem>> -> memref<1x128x64xf32, #tpu.memory_space<vmem>>
          %get3A_610 = tpu.memref_squeeze %get3A_609 : memref<1x128x64xf32, #tpu.memory_space<vmem>> -> memref<128x64xf32, #tpu.memory_space<vmem>>
          %get3A_611 = arith.index_cast %scan3A_606 : i32 to index
          %get3A_612 = arith.constant 0 : index
          %get3A_613 = tpu.vector_load %get3A_610[%get3A_611, %get3A_612] {strides = array<i32>} : memref<128x64xf32, #tpu.memory_space<vmem>>, vector<16xf32>,
          %swap3A_614 = arith.index_cast %scan3A_606 : i32 to index
          %swap3A_615 = arith.constant 0 : index
          %swap3A_616 = tpu.vector_load %arg8[%swap3A_614, %swap3A_615] {strides = array<i32>} : memref<128x64xf32, #tpu.memory_space<vmem>>, vector<16xf32>,
          tpu.vector_store %arg8[%swap3A_614, %swap3A_615], %get3A_613 {add = true, strides = array<i32>} : memref<128x64xf32, #tpu.memory_space<vmem>>, vector<16xf32>,
          %get3A_617 = arith.constant 0 : i32
          %get3A_618 = arith.constant 0 : i32
          %get3A_619 = tpu.memref_slice %arg7[%scan3A_347, %get3A_617, %get3A_618] : memref<2x128x64xf32, #tpu.memory_space<vmem>> -> memref<1x128x64xf32, #tpu.memory_space<vmem>>
          %get3A_620 = tpu.memref_squeeze %get3A_619 : memref<1x128x64xf32, #tpu.memory_space<vmem>> -> memref<128x64xf32, #tpu.memory_space<vmem>>
          %get3A_621 = arith.index_cast %scan3A_606 : i32 to index
          %get3A_622 = arith.constant 16 : index
          %get3A_623 = tpu.vector_load %get3A_620[%get3A_621, %get3A_622] {strides = array<i32>} : memref<128x64xf32, #tpu.memory_space<vmem>>, vector<16xf32>,
          %swap3A_624 = arith.index_cast %scan3A_606 : i32 to index
          %swap3A_625 = arith.constant 16 : index
          %swap3A_626 = tpu.vector_load %arg8[%swap3A_624, %swap3A_625] {strides = array<i32>} : memref<128x64xf32, #tpu.memory_space<vmem>>, vector<16xf32>,
          tpu.vector_store %arg8[%swap3A_624, %swap3A_625], %get3A_623 {add = true, strides = array<i32>} : memref<128x64xf32, #tpu.memory_space<vmem>>, vector<16xf32>,
          %get3A_627 = arith.constant 0 : i32
          %get3A_628 = arith.constant 0 : i32
          %get3A_629 = tpu.memref_slice %arg7[%scan3A_347, %get3A_627, %get3A_628] : memref<2x128x64xf32, #tpu.memory_space<vmem>> -> memref<1x128x64xf32, #tpu.memory_space<vmem>>
          %get3A_630 = tpu.memref_squeeze %get3A_629 : memref<1x128x64xf32, #tpu.memory_space<vmem>> -> memref<128x64xf32, #tpu.memory_space<vmem>>
          %get3A_631 = arith.index_cast %scan3A_606 : i32 to index
          %get3A_632 = arith.constant 32 : index
          %get3A_633 = tpu.vector_load %get3A_630[%get3A_631, %get3A_632] {strides = array<i32>} : memref<128x64xf32, #tpu.memory_space<vmem>>, vector<16xf32>,
          %swap3A_634 = arith.index_cast %scan3A_606 : i32 to index
          %swap3A_635 = arith.constant 32 : index
          %swap3A_636 = tpu.vector_load %arg8[%swap3A_634, %swap3A_635] {strides = array<i32>} : memref<128x64xf32, #tpu.memory_space<vmem>>, vector<16xf32>,
          tpu.vector_store %arg8[%swap3A_634, %swap3A_635], %get3A_633 {add = true, strides = array<i32>} : memref<128x64xf32, #tpu.memory_space<vmem>>, vector<16xf32>,
          %get3A_637 = arith.constant 0 : i32
          %get3A_638 = arith.constant 0 : i32
          %get3A_639 = tpu.memref_slice %arg7[%scan3A_347, %get3A_637, %get3A_638] : memref<2x128x64xf32, #tpu.memory_space<vmem>> -> memref<1x128x64xf32, #tpu.memory_space<vmem>>
          %get3A_640 = tpu.memref_squeeze %get3A_639 : memref<1x128x64xf32, #tpu.memory_space<vmem>> -> memref<128x64xf32, #tpu.memory_space<vmem>>
          %get3A_641 = arith.index_cast %scan3A_606 : i32 to index
          %get3A_642 = arith.constant 48 : index
          %get3A_643 = tpu.vector_load %get3A_640[%get3A_641, %get3A_642] {strides = array<i32>} : memref<128x64xf32, #tpu.memory_space<vmem>>, vector<16xf32>,
          %swap3A_644 = arith.index_cast %scan3A_606 : i32 to index
          %swap3A_645 = arith.constant 48 : index
          %swap3A_646 = tpu.vector_load %arg8[%swap3A_644, %swap3A_645] {strides = array<i32>} : memref<128x64xf32, #tpu.memory_space<vmem>>, vector<16xf32>,
          tpu.vector_store %arg8[%swap3A_644, %swap3A_645], %get3A_643 {add = true, strides = array<i32>} : memref<128x64xf32, #tpu.memory_space<vmem>>, vector<16xf32>,
          %scan3A_647 = arith.constant 5 : i32
          %scan3A_648 = arith.addi %scan3A_439, %scan3A_647 : i32
          %get3A_649 = arith.constant 0 : i32
          %get3A_650 = arith.constant 0 : i32
          %get3A_651 = tpu.memref_slice %arg7[%scan3A_347, %get3A_649, %get3A_650] : memref<2x128x64xf32, #tpu.memory_space<vmem>> -> memref<1x128x64xf32, #tpu.memory_space<vmem>>
          %get3A_652 = tpu.memref_squeeze %get3A_651 : memref<1x128x64xf32, #tpu.memory_space<vmem>> -> memref<128x64xf32, #tpu.memory_space<vmem>>
          %get3A_653 = arith.index_cast %scan3A_648 : i32 to index
          %get3A_654 = arith.constant 0 : index
          %get3A_655 = tpu.vector_load %get3A_652[%get3A_653, %get3A_654] {strides = array<i32>} : memref<128x64xf32, #tpu.memory_space<vmem>>, vector<16xf32>,
          %swap3A_656 = arith.index_cast %scan3A_648 : i32 to index
          %swap3A_657 = arith.constant 0 : index
          %swap3A_658 = tpu.vector_load %arg8[%swap3A_656, %swap3A_657] {strides = array<i32>} : memref<128x64xf32, #tpu.memory_space<vmem>>, vector<16xf32>,
          tpu.vector_store %arg8[%swap3A_656, %swap3A_657], %get3A_655 {add = true, strides = array<i32>} : memref<128x64xf32, #tpu.memory_space<vmem>>, vector<16xf32>,
          %get3A_659 = arith.constant 0 : i32
          %get3A_660 = arith.constant 0 : i32
          %get3A_661 = tpu.memref_slice %arg7[%scan3A_347, %get3A_659, %get3A_660] : memref<2x128x64xf32, #tpu.memory_space<vmem>> -> memref<1x128x64xf32, #tpu.memory_space<vmem>>
          %get3A_662 = tpu.memref_squeeze %get3A_661 : memref<1x128x64xf32, #tpu.memory_space<vmem>> -> memref<128x64xf32, #tpu.memory_space<vmem>>
          %get3A_663 = arith.index_cast %scan3A_648 : i32 to index
          %get3A_664 = arith.constant 16 : index
          %get3A_665 = tpu.vector_load %get3A_662[%get3A_663, %get3A_664] {strides = array<i32>} : memref<128x64xf32, #tpu.memory_space<vmem>>, vector<16xf32>,
          %swap3A_666 = arith.index_cast %scan3A_648 : i32 to index
          %swap3A_667 = arith.constant 16 : index
          %swap3A_668 = tpu.vector_load %arg8[%swap3A_666, %swap3A_667] {strides = array<i32>} : memref<128x64xf32, #tpu.memory_space<vmem>>, vector<16xf32>,
          tpu.vector_store %arg8[%swap3A_666, %swap3A_667], %get3A_665 {add = true, strides = array<i32>} : memref<128x64xf32, #tpu.memory_space<vmem>>, vector<16xf32>,
          %get3A_669 = arith.constant 0 : i32
          %get3A_670 = arith.constant 0 : i32
          %get3A_671 = tpu.memref_slice %arg7[%scan3A_347, %get3A_669, %get3A_670] : memref<2x128x64xf32, #tpu.memory_space<vmem>> -> memref<1x128x64xf32, #tpu.memory_space<vmem>>
          %get3A_672 = tpu.memref_squeeze %get3A_671 : memref<1x128x64xf32, #tpu.memory_space<vmem>> -> memref<128x64xf32, #tpu.memory_space<vmem>>
          %get3A_673 = arith.index_cast %scan3A_648 : i32 to index
          %get3A_674 = arith.constant 32 : index
          %get3A_675 = tpu.vector_load %get3A_672[%get3A_673, %get3A_674] {strides = array<i32>} : memref<128x64xf32, #tpu.memory_space<vmem>>, vector<16xf32>,
          %swap3A_676 = arith.index_cast %scan3A_648 : i32 to index
          %swap3A_677 = arith.constant 32 : index
          %swap3A_678 = tpu.vector_load %arg8[%swap3A_676, %swap3A_677] {strides = array<i32>} : memref<128x64xf32, #tpu.memory_space<vmem>>, vector<16xf32>,
          tpu.vector_store %arg8[%swap3A_676, %swap3A_677], %get3A_675 {add = true, strides = array<i32>} : memref<128x64xf32, #tpu.memory_space<vmem>>, vector<16xf32>,
          %get3A_679 = arith.constant 0 : i32
          %get3A_680 = arith.constant 0 : i32
          %get3A_681 = tpu.memref_slice %arg7[%scan3A_347, %get3A_679, %get3A_680] : memref<2x128x64xf32, #tpu.memory_space<vmem>> -> memref<1x128x64xf32, #tpu.memory_space<vmem>>
          %get3A_682 = tpu.memref_squeeze %get3A_681 : memref<1x128x64xf32, #tpu.memory_space<vmem>> -> memref<128x64xf32, #tpu.memory_space<vmem>>
          %get3A_683 = arith.index_cast %scan3A_648 : i32 to index
          %get3A_684 = arith.constant 48 : index
          %get3A_685 = tpu.vector_load %get3A_682[%get3A_683, %get3A_684] {strides = array<i32>} : memref<128x64xf32, #tpu.memory_space<vmem>>, vector<16xf32>,
          %swap3A_686 = arith.index_cast %scan3A_648 : i32 to index
          %swap3A_687 = arith.constant 48 : index
          %swap3A_688 = tpu.vector_load %arg8[%swap3A_686, %swap3A_687] {strides = array<i32>} : memref<128x64xf32, #tpu.memory_space<vmem>>, vector<16xf32>,
          tpu.vector_store %arg8[%swap3A_686, %swap3A_687], %get3A_685 {add = true, strides = array<i32>} : memref<128x64xf32, #tpu.memory_space<vmem>>, vector<16xf32>,
          %scan3A_689 = arith.constant 6 : i32
          %scan3A_690 = arith.addi %scan3A_439, %scan3A_689 : i32
          %get3A_691 = arith.constant 0 : i32
          %get3A_692 = arith.constant 0 : i32
          %get3A_693 = tpu.memref_slice %arg7[%scan3A_347, %get3A_691, %get3A_692] : memref<2x128x64xf32, #tpu.memory_space<vmem>> -> memref<1x128x64xf32, #tpu.memory_space<vmem>>
          %get3A_694 = tpu.memref_squeeze %get3A_693 : memref<1x128x64xf32, #tpu.memory_space<vmem>> -> memref<128x64xf32, #tpu.memory_space<vmem>>
          %get3A_695 = arith.index_cast %scan3A_690 : i32 to index
          %get3A_696 = arith.constant 0 : index
          %get3A_697 = tpu.vector_load %get3A_694[%get3A_695, %get3A_696] {strides = array<i32>} : memref<128x64xf32, #tpu.memory_space<vmem>>, vector<16xf32>,
          %swap3A_698 = arith.index_cast %scan3A_690 : i32 to index
          %swap3A_699 = arith.constant 0 : index
          %swap3A_700 = tpu.vector_load %arg8[%swap3A_698, %swap3A_699] {strides = array<i32>} : memref<128x64xf32, #tpu.memory_space<vmem>>, vector<16xf32>,
          tpu.vector_store %arg8[%swap3A_698, %swap3A_699], %get3A_697 {add = true, strides = array<i32>} : memref<128x64xf32, #tpu.memory_space<vmem>>, vector<16xf32>,
          %get3A_701 = arith.constant 0 : i32
          %get3A_702 = arith.constant 0 : i32
          %get3A_703 = tpu.memref_slice %arg7[%scan3A_347, %get3A_701, %get3A_702] : memref<2x128x64xf32, #tpu.memory_space<vmem>> -> memref<1x128x64xf32, #tpu.memory_space<vmem>>
          %get3A_704 = tpu.memref_squeeze %get3A_703 : memref<1x128x64xf32, #tpu.memory_space<vmem>> -> memref<128x64xf32, #tpu.memory_space<vmem>>
          %get3A_705 = arith.index_cast %scan3A_690 : i32 to index
          %get3A_706 = arith.constant 16 : index
          %get3A_707 = tpu.vector_load %get3A_704[%get3A_705, %get3A_706] {strides = array<i32>} : memref<128x64xf32, #tpu.memory_space<vmem>>, vector<16xf32>,
          %swap3A_708 = arith.index_cast %scan3A_690 : i32 to index
          %swap3A_709 = arith.constant 16 : index
          %swap3A_710 = tpu.vector_load %arg8[%swap3A_708, %swap3A_709] {strides = array<i32>} : memref<128x64xf32, #tpu.memory_space<vmem>>, vector<16xf32>,
          tpu.vector_store %arg8[%swap3A_708, %swap3A_709], %get3A_707 {add = true, strides = array<i32>} : memref<128x64xf32, #tpu.memory_space<vmem>>, vector<16xf32>,
          %get3A_711 = arith.constant 0 : i32
          %get3A_712 = arith.constant 0 : i32
          %get3A_713 = tpu.memref_slice %arg7[%scan3A_347, %get3A_711, %get3A_712] : memref<2x128x64xf32, #tpu.memory_space<vmem>> -> memref<1x128x64xf32, #tpu.memory_space<vmem>>
          %get3A_714 = tpu.memref_squeeze %get3A_713 : memref<1x128x64xf32, #tpu.memory_space<vmem>> -> memref<128x64xf32, #tpu.memory_space<vmem>>
          %get3A_715 = arith.index_cast %scan3A_690 : i32 to index
          %get3A_716 = arith.constant 32 : index
          %get3A_717 = tpu.vector_load %get3A_714[%get3A_715, %get3A_716] {strides = array<i32>} : memref<128x64xf32, #tpu.memory_space<vmem>>, vector<16xf32>,
          %swap3A_718 = arith.index_cast %scan3A_690 : i32 to index
          %swap3A_719 = arith.constant 32 : index
          %swap3A_720 = tpu.vector_load %arg8[%swap3A_718, %swap3A_719] {strides = array<i32>} : memref<128x64xf32, #tpu.memory_space<vmem>>, vector<16xf32>,
          tpu.vector_store %arg8[%swap3A_718, %swap3A_719], %get3A_717 {add = true, strides = array<i32>} : memref<128x64xf32, #tpu.memory_space<vmem>>, vector<16xf32>,
          %get3A_721 = arith.constant 0 : i32
          %get3A_722 = arith.constant 0 : i32
          %get3A_723 = tpu.memref_slice %arg7[%scan3A_347, %get3A_721, %get3A_722] : memref<2x128x64xf32, #tpu.memory_space<vmem>> -> memref<1x128x64xf32, #tpu.memory_space<vmem>>
          %get3A_724 = tpu.memref_squeeze %get3A_723 : memref<1x128x64xf32, #tpu.memory_space<vmem>> -> memref<128x64xf32, #tpu.memory_space<vmem>>
          %get3A_725 = arith.index_cast %scan3A_690 : i32 to index
          %get3A_726 = arith.constant 48 : index
          %get3A_727 = tpu.vector_load %get3A_724[%get3A_725, %get3A_726] {strides = array<i32>} : memref<128x64xf32, #tpu.memory_space<vmem>>, vector<16xf32>,
          %swap3A_728 = arith.index_cast %scan3A_690 : i32 to index
          %swap3A_729 = arith.constant 48 : index
          %swap3A_730 = tpu.vector_load %arg8[%swap3A_728, %swap3A_729] {strides = array<i32>} : memref<128x64xf32, #tpu.memory_space<vmem>>, vector<16xf32>,
          tpu.vector_store %arg8[%swap3A_728, %swap3A_729], %get3A_727 {add = true, strides = array<i32>} : memref<128x64xf32, #tpu.memory_space<vmem>>, vector<16xf32>,
          %scan3A_731 = arith.constant 7 : i32
          %scan3A_732 = arith.addi %scan3A_439, %scan3A_731 : i32
          %get3A_733 = arith.constant 0 : i32
          %get3A_734 = arith.constant 0 : i32
          %get3A_735 = tpu.memref_slice %arg7[%scan3A_347, %get3A_733, %get3A_734] : memref<2x128x64xf32, #tpu.memory_space<vmem>> -> memref<1x128x64xf32, #tpu.memory_space<vmem>>
          %get3A_736 = tpu.memref_squeeze %get3A_735 : memref<1x128x64xf32, #tpu.memory_space<vmem>> -> memref<128x64xf32, #tpu.memory_space<vmem>>
          %get3A_737 = arith.index_cast %scan3A_732 : i32 to index
          %get3A_738 = arith.constant 0 : index
          %get3A_739 = tpu.vector_load %get3A_736[%get3A_737, %get3A_738] {strides = array<i32>} : memref<128x64xf32, #tpu.memory_space<vmem>>, vector<16xf32>,
          %swap3A_740 = arith.index_cast %scan3A_732 : i32 to index
          %swap3A_741 = arith.constant 0 : index
          %swap3A_742 = tpu.vector_load %arg8[%swap3A_740, %swap3A_741] {strides = array<i32>} : memref<128x64xf32, #tpu.memory_space<vmem>>, vector<16xf32>,
          tpu.vector_store %arg8[%swap3A_740, %swap3A_741], %get3A_739 {add = true, strides = array<i32>} : memref<128x64xf32, #tpu.memory_space<vmem>>, vector<16xf32>,
          %get3A_743 = arith.constant 0 : i32
          %get3A_744 = arith.constant 0 : i32
          %get3A_745 = tpu.memref_slice %arg7[%scan3A_347, %get3A_743, %get3A_744] : memref<2x128x64xf32, #tpu.memory_space<vmem>> -> memref<1x128x64xf32, #tpu.memory_space<vmem>>
          %get3A_746 = tpu.memref_squeeze %get3A_745 : memref<1x128x64xf32, #tpu.memory_space<vmem>> -> memref<128x64xf32, #tpu.memory_space<vmem>>
          %get3A_747 = arith.index_cast %scan3A_732 : i32 to index
          %get3A_748 = arith.constant 16 : index
          %get3A_749 = tpu.vector_load %get3A_746[%get3A_747, %get3A_748] {strides = array<i32>} : memref<128x64xf32, #tpu.memory_space<vmem>>, vector<16xf32>,
          %swap3A_750 = arith.index_cast %scan3A_732 : i32 to index
          %swap3A_751 = arith.constant 16 : index
          %swap3A_752 = tpu.vector_load %arg8[%swap3A_750, %swap3A_751] {strides = array<i32>} : memref<128x64xf32, #tpu.memory_space<vmem>>, vector<16xf32>,
          tpu.vector_store %arg8[%swap3A_750, %swap3A_751], %get3A_749 {add = true, strides = array<i32>} : memref<128x64xf32, #tpu.memory_space<vmem>>, vector<16xf32>,
          %get3A_753 = arith.constant 0 : i32
          %get3A_754 = arith.constant 0 : i32
          %get3A_755 = tpu.memref_slice %arg7[%scan3A_347, %get3A_753, %get3A_754] : memref<2x128x64xf32, #tpu.memory_space<vmem>> -> memref<1x128x64xf32, #tpu.memory_space<vmem>>
          %get3A_756 = tpu.memref_squeeze %get3A_755 : memref<1x128x64xf32, #tpu.memory_space<vmem>> -> memref<128x64xf32, #tpu.memory_space<vmem>>
          %get3A_757 = arith.index_cast %scan3A_732 : i32 to index
          %get3A_758 = arith.constant 32 : index
          %get3A_759 = tpu.vector_load %get3A_756[%get3A_757, %get3A_758] {strides = array<i32>} : memref<128x64xf32, #tpu.memory_space<vmem>>, vector<16xf32>,
          %swap3A_760 = arith.index_cast %scan3A_732 : i32 to index
          %swap3A_761 = arith.constant 32 : index
          %swap3A_762 = tpu.vector_load %arg8[%swap3A_760, %swap3A_761] {strides = array<i32>} : memref<128x64xf32, #tpu.memory_space<vmem>>, vector<16xf32>,
          tpu.vector_store %arg8[%swap3A_760, %swap3A_761], %get3A_759 {add = true, strides = array<i32>} : memref<128x64xf32, #tpu.memory_space<vmem>>, vector<16xf32>,
          %get3A_763 = arith.constant 0 : i32
          %get3A_764 = arith.constant 0 : i32
          %get3A_765 = tpu.memref_slice %arg7[%scan3A_347, %get3A_763, %get3A_764] : memref<2x128x64xf32, #tpu.memory_space<vmem>> -> memref<1x128x64xf32, #tpu.memory_space<vmem>>
          %get3A_766 = tpu.memref_squeeze %get3A_765 : memref<1x128x64xf32, #tpu.memory_space<vmem>> -> memref<128x64xf32, #tpu.memory_space<vmem>>
          %get3A_767 = arith.index_cast %scan3A_732 : i32 to index
          %get3A_768 = arith.constant 48 : index
          %get3A_769 = tpu.vector_load %get3A_766[%get3A_767, %get3A_768] {strides = array<i32>} : memref<128x64xf32, #tpu.memory_space<vmem>>, vector<16xf32>,
          %swap3A_770 = arith.index_cast %scan3A_732 : i32 to index
          %swap3A_771 = arith.constant 48 : index
          %swap3A_772 = tpu.vector_load %arg8[%swap3A_770, %swap3A_771] {strides = array<i32>} : memref<128x64xf32, #tpu.memory_space<vmem>>, vector<16xf32>,
          tpu.vector_store %arg8[%swap3A_770, %swap3A_771], %get3A_769 {add = true, strides = array<i32>} : memref<128x64xf32, #tpu.memory_space<vmem>>, vector<16xf32>,
        }
        %scan3A_352 = arith.constant 128 : i32
        %add3A_353 = arith.constant 2 : i32
        %add3A_354 = arith.addi %add3A_330, %add3A_353 : i32
        %min3A_355 = arith.constant 199 : i32
        %min3A_356 = arith.minsi %add3A_354, %min3A_355 : i32
        %iota3A_357 = tpu.iota {dimensions = array<i32: 0>} : vector<16xi32>
        %mul3A_358 = arith.constant 200 : i32
        %mul3A_359 = vector.broadcast %mul3A_358 : i32 to vector<16xi32>
        %mul3A_360 = arith.muli %iota3A_357, %mul3A_359 : vector<16xi32>
        %add3A_361 = vector.broadcast %min3A_356 : i32 to vector<16xi32>
        %add3A_362 = arith.addi %mul3A_360, %add3A_361 : vector<16xi32>
        %add3A_363 = arith.constant 0 : i32
        %add3A_364 = vector.broadcast %add3A_363 : i32 to vector<16xi32>
        %add3A_365 = arith.addi %add3A_362, %add3A_364 : vector<16xi32>
        %gather3A_366 = tpu.vector_load_idx %arg5[%add3A_365] : memref<25600xi32, #tpu.memory_space<vmem>>[vector<16xi32>], vector<16xi32>,
        %swap3A_367 = arith.constant 1 : i32
        %swap3A_368 = arith.index_cast %swap3A_367 : i32 to index
        %swap3A_369 = arith.constant 0 : index
        %swap3A_370 = tpu.vector_load %arg6[%swap3A_368, %swap3A_369] {strides = array<i32>} : memref<2x128xi32, #tpu.memory_space<vmem>>, vector<16xi32>,
        tpu.vector_store %arg6[%swap3A_368, %swap3A_369], %gather3A_366 {strides = array<i32>} : memref<2x128xi32, #tpu.memory_space<vmem>>, vector<16xi32>,
        %add3A_371 = arith.constant 3200 : i32
        %add3A_372 = vector.broadcast %add3A_371 : i32 to vector<16xi32>
        %add3A_373 = arith.addi %add3A_362, %add3A_372 : vector<16xi32>
        %gather3A_374 = tpu.vector_load_idx %arg5[%add3A_373] : memref<25600xi32, #tpu.memory_space<vmem>>[vector<16xi32>], vector<16xi32>,
        %swap3A_375 = arith.constant 1 : i32
        %swap3A_376 = arith.index_cast %swap3A_375 : i32 to index
        %swap3A_377 = arith.constant 16 : index
        %swap3A_378 = tpu.vector_load %arg6[%swap3A_376, %swap3A_377] {strides = array<i32>} : memref<2x128xi32, #tpu.memory_space<vmem>>, vector<16xi32>,
        tpu.vector_store %arg6[%swap3A_376, %swap3A_377], %gather3A_374 {strides = array<i32>} : memref<2x128xi32, #tpu.memory_space<vmem>>, vector<16xi32>,
        %add3A_379 = arith.constant 6400 : i32
        %add3A_380 = vector.broadcast %add3A_379 : i32 to vector<16xi32>
        %add3A_381 = arith.addi %add3A_362, %add3A_380 : vector<16xi32>
        %gather3A_382 = tpu.vector_load_idx %arg5[%add3A_381] : memref<25600xi32, #tpu.memory_space<vmem>>[vector<16xi32>], vector<16xi32>,
        %swap3A_383 = arith.constant 1 : i32
        %swap3A_384 = arith.index_cast %swap3A_383 : i32 to index
        %swap3A_385 = arith.constant 32 : index
        %swap3A_386 = tpu.vector_load %arg6[%swap3A_384, %swap3A_385] {strides = array<i32>} : memref<2x128xi32, #tpu.memory_space<vmem>>, vector<16xi32>,
        tpu.vector_store %arg6[%swap3A_384, %swap3A_385], %gather3A_382 {strides = array<i32>} : memref<2x128xi32, #tpu.memory_space<vmem>>, vector<16xi32>,
        %add3A_387 = arith.constant 9600 : i32
        %add3A_388 = vector.broadcast %add3A_387 : i32 to vector<16xi32>
        %add3A_389 = arith.addi %add3A_362, %add3A_388 : vector<16xi32>
        %gather3A_390 = tpu.vector_load_idx %arg5[%add3A_389] : memref<25600xi32, #tpu.memory_space<vmem>>[vector<16xi32>], vector<16xi32>,
        %swap3A_391 = arith.constant 1 : i32
        %swap3A_392 = arith.index_cast %swap3A_391 : i32 to index
        %swap3A_393 = arith.constant 48 : index
        %swap3A_394 = tpu.vector_load %arg6[%swap3A_392, %swap3A_393] {strides = array<i32>} : memref<2x128xi32, #tpu.memory_space<vmem>>, vector<16xi32>,
        tpu.vector_store %arg6[%swap3A_392, %swap3A_393], %gather3A_390 {strides = array<i32>} : memref<2x128xi32, #tpu.memory_space<vmem>>, vector<16xi32>,
        %add3A_395 = arith.constant 12800 : i32
        %add3A_396 = vector.broadcast %add3A_395 : i32 to vector<16xi32>
        %add3A_397 = arith.addi %add3A_362, %add3A_396 : vector<16xi32>
        %gather3A_398 = tpu.vector_load_idx %arg5[%add3A_397] : memref<25600xi32, #tpu.memory_space<vmem>>[vector<16xi32>], vector<16xi32>,
        %swap3A_399 = arith.constant 1 : i32
        %swap3A_400 = arith.index_cast %swap3A_399 : i32 to index
        %swap3A_401 = arith.constant 64 : index
        %swap3A_402 = tpu.vector_load %arg6[%swap3A_400, %swap3A_401] {strides = array<i32>} : memref<2x128xi32, #tpu.memory_space<vmem>>, vector<16xi32>,
        tpu.vector_store %arg6[%swap3A_400, %swap3A_401], %gather3A_398 {strides = array<i32>} : memref<2x128xi32, #tpu.memory_space<vmem>>, vector<16xi32>,
        %add3A_403 = arith.constant 16000 : i32
        %add3A_404 = vector.broadcast %add3A_403 : i32 to vector<16xi32>
        %add3A_405 = arith.addi %add3A_362, %add3A_404 : vector<16xi32>
        %gather3A_406 = tpu.vector_load_idx %arg5[%add3A_405] : memref<25600xi32, #tpu.memory_space<vmem>>[vector<16xi32>], vector<16xi32>,
        %swap3A_407 = arith.constant 1 : i32
        %swap3A_408 = arith.index_cast %swap3A_407 : i32 to index
        %swap3A_409 = arith.constant 80 : index
        %swap3A_410 = tpu.vector_load %arg6[%swap3A_408, %swap3A_409] {strides = array<i32>} : memref<2x128xi32, #tpu.memory_space<vmem>>, vector<16xi32>,
        tpu.vector_store %arg6[%swap3A_408, %swap3A_409], %gather3A_406 {strides = array<i32>} : memref<2x128xi32, #tpu.memory_space<vmem>>, vector<16xi32>,
        %add3A_411 = arith.constant 19200 : i32
        %add3A_412 = vector.broadcast %add3A_411 : i32 to vector<16xi32>
        %add3A_413 = arith.addi %add3A_362, %add3A_412 : vector<16xi32>
        %gather3A_414 = tpu.vector_load_idx %arg5[%add3A_413] : memref<25600xi32, #tpu.memory_space<vmem>>[vector<16xi32>], vector<16xi32>,
        %swap3A_415 = arith.constant 1 : i32
        %swap3A_416 = arith.index_cast %swap3A_415 : i32 to index
        %swap3A_417 = arith.constant 96 : index
        %swap3A_418 = tpu.vector_load %arg6[%swap3A_416, %swap3A_417] {strides = array<i32>} : memref<2x128xi32, #tpu.memory_space<vmem>>, vector<16xi32>,
        tpu.vector_store %arg6[%swap3A_416, %swap3A_417], %gather3A_414 {strides = array<i32>} : memref<2x128xi32, #tpu.memory_space<vmem>>, vector<16xi32>,
        %add3A_419 = arith.constant 22400 : i32
        %add3A_420 = vector.broadcast %add3A_419 : i32 to vector<16xi32>
        %add3A_421 = arith.addi %add3A_362, %add3A_420 : vector<16xi32>
        %gather3A_422 = tpu.vector_load_idx %arg5[%add3A_421] : memref<25600xi32, #tpu.memory_space<vmem>>[vector<16xi32>], vector<16xi32>,
        %swap3A_423 = arith.constant 1 : i32
        %swap3A_424 = arith.index_cast %swap3A_423 : i32 to index
        %swap3A_425 = arith.constant 112 : index
        %swap3A_426 = tpu.vector_load %arg6[%swap3A_424, %swap3A_425] {strides = array<i32>} : memref<2x128xi32, #tpu.memory_space<vmem>>, vector<16xi32>,
        tpu.vector_store %arg6[%swap3A_424, %swap3A_425], %gather3A_422 {strides = array<i32>} : memref<2x128xi32, #tpu.memory_space<vmem>>, vector<16xi32>,
        %dma_start3A_427 = arith.constant 1 : i32
        %dma_start3A_428 = arith.constant 1 : i32
        %dma_start3A_429 = arith.constant 0 : i32
        %dma_start3A_430 = arith.constant 0 : i32
        %dma_start3A_431 = tpu.memref_slice %arg7[%dma_start3A_428, %dma_start3A_429, %dma_start3A_430] : memref<2x128x64xf32, #tpu.memory_space<vmem>> -> memref<1x128x64xf32, #tpu.memory_space<vmem>>
        %dma_start3A_432 = tpu.memref_squeeze %dma_start3A_431 : memref<1x128x64xf32, #tpu.memory_space<vmem>> -> memref<128x64xf32, #tpu.memory_space<vmem>>
        %dma_start3A_433 = arith.constant 0 : i32
        %dma_start3A_434 = tpu.memref_slice %arg6[%dma_start3A_427, %dma_start3A_433] : memref<2x128xi32, #tpu.memory_space<vmem>> -> memref<1x128xi32, #tpu.memory_space<vmem>>
        %dma_start3A_435 = tpu.memref_squeeze %dma_start3A_434 : memref<1x128xi32, #tpu.memory_space<vmem>> -> memref<128xi32, #tpu.memory_space<vmem>>
        %dma_start3A_436 = arith.constant 0 : i32
        %dma_start3A_437 = arith.constant 0 : i32
        %dma_start3A_438 = tpu.memref_slice %arg3[%dma_start3A_436, %dma_start3A_437] : memref<1000000x64xf32, #tpu.memory_space<hbm>> -> memref<1000000x64xf32, #tpu.memory_space<hbm>>
        tpu.enqueue_indirect_dma source(%dma_start3A_438 : memref<1000000x64xf32, #tpu.memory_space<hbm>>) target(%dma_start3A_432 : memref<128x64xf32, #tpu.memory_space<vmem>>) offsets(%dma_start3A_435 : memref<128xi32, #tpu.memory_space<vmem>>) semaphore(%arg10 : memref<!tpu.dma_semaphore, #tpu.memory_space<semaphore_mem>>)
      }
      %scan3A_183 = arith.constant 100 : i32
      %dma_wait3A = arith.constant 0 : i32
      %dma_wait3A_184 = arith.constant 0 : i32
      %dma_wait3A_185 = arith.constant 0 : i32
      %dma_wait3A_186 = tpu.memref_slice %arg7[%dma_wait3A, %dma_wait3A_184, %dma_wait3A_185] : memref<2x128x64xf32, #tpu.memory_space<vmem>> -> memref<1x128x64xf32, #tpu.memory_space<vmem>>
      %dma_wait3A_187 = tpu.memref_squeeze %dma_wait3A_186 : memref<1x128x64xf32, #tpu.memory_space<vmem>> -> memref<128x64xf32, #tpu.memory_space<vmem>>
      %dma_wait3A_188 = arith.constant 0 : i32
      %dma_wait3A_189 = arith.constant 0 : i32
      %dma_wait3A_190 = tpu.memref_slice %arg3[%dma_wait3A_188, %dma_wait3A_189] : memref<1000000x64xf32, #tpu.memory_space<hbm>> -> memref<128x64xf32, #tpu.memory_space<hbm>>
      %dma_wait3A_191 = arith.constant 0 : i32
      %dma_wait3A_192 = arith.constant 0 : i32
      %dma_wait3A_193 = tpu.memref_slice %arg7[%dma_wait3A, %dma_wait3A_191, %dma_wait3A_192] : memref<2x128x64xf32, #tpu.memory_space<vmem>> -> memref<1x128x64xf32, #tpu.memory_space<vmem>>
      %dma_wait3A_194 = tpu.memref_squeeze %dma_wait3A_193 : memref<1x128x64xf32, #tpu.memory_space<vmem>> -> memref<128x64xf32, #tpu.memory_space<vmem>>
      %dma_wait3A_195 = arith.constant 0 : i32
      %dma_wait3A_196 = arith.constant 0 : i32
      %dma_wait3A_197 = tpu.memref_slice %arg3[%dma_wait3A_195, %dma_wait3A_196] : memref<1000000x64xf32, #tpu.memory_space<hbm>> -> memref<128x64xf32, #tpu.memory_space<hbm>>
      tpu.wait_dma2 semaphore(%arg9 : memref<!tpu.dma_semaphore, #tpu.memory_space<semaphore_mem>>) src(%dma_wait3A_197 : memref<128x64xf32, #tpu.memory_space<hbm>>) dst(%dma_wait3A_194 : memref<128x64xf32, #tpu.memory_space<vmem>>)
      %dma_wait3A_198 = arith.constant 1 : i32
      %dma_wait3A_199 = arith.constant 0 : i32
      %dma_wait3A_200 = arith.constant 0 : i32
      %dma_wait3A_201 = tpu.memref_slice %arg7[%dma_wait3A_198, %dma_wait3A_199, %dma_wait3A_200] : memref<2x128x64xf32, #tpu.memory_space<vmem>> -> memref<1x128x64xf32, #tpu.memory_space<vmem>>
      %dma_wait3A_202 = tpu.memref_squeeze %dma_wait3A_201 : memref<1x128x64xf32, #tpu.memory_space<vmem>> -> memref<128x64xf32, #tpu.memory_space<vmem>>
      %dma_wait3A_203 = arith.constant 0 : i32
      %dma_wait3A_204 = arith.constant 0 : i32
      %dma_wait3A_205 = tpu.memref_slice %arg3[%dma_wait3A_203, %dma_wait3A_204] : memref<1000000x64xf32, #tpu.memory_space<hbm>> -> memref<128x64xf32, #tpu.memory_space<hbm>>
      %dma_wait3A_206 = arith.constant 0 : i32
      %dma_wait3A_207 = arith.constant 0 : i32
      %dma_wait3A_208 = tpu.memref_slice %arg7[%dma_wait3A_198, %dma_wait3A_206, %dma_wait3A_207] : memref<2x128x64xf32, #tpu.memory_space<vmem>> -> memref<1x128x64xf32, #tpu.memory_space<vmem>>
      %dma_wait3A_209 = tpu.memref_squeeze %dma_wait3A_208 : memref<1x128x64xf32, #tpu.memory_space<vmem>> -> memref<128x64xf32, #tpu.memory_space<vmem>>
      %dma_wait3A_210 = arith.constant 0 : i32
      %dma_wait3A_211 = arith.constant 0 : i32
      %dma_wait3A_212 = tpu.memref_slice %arg3[%dma_wait3A_210, %dma_wait3A_211] : memref<1000000x64xf32, #tpu.memory_space<hbm>> -> memref<128x64xf32, #tpu.memory_space<hbm>>
      tpu.wait_dma2 semaphore(%arg10 : memref<!tpu.dma_semaphore, #tpu.memory_space<semaphore_mem>>) src(%dma_wait3A_212 : memref<128x64xf32, #tpu.memory_space<hbm>>) dst(%dma_wait3A_209 : memref<128x64xf32, #tpu.memory_space<vmem>>)
      %mul3A_213 = arith.constant 128 : i32
      %mul3A_214 = arith.muli %add3A_9, %mul3A_213 : i32
      "tpu.region"() ({
        %run_scoped3A = tpu.sem_alloc : memref<!tpu.dma_semaphore, #tpu.memory_space<semaphore_mem>>
        %dma_start3A_215 = arith.constant 0 : i32
        %dma_start3A_216 = tpu.memref_slice %arg4[%mul3A_214, %dma_start3A_215] : memref<16384x64xf32, #tpu.memory_space<hbm>> -> memref<128x64xf32, #tpu.memory_space<hbm>>
        %dma_start3A_217 = arith.constant 0 : i32
        %dma_start3A_218 = tpu.memref_slice %arg4[%mul3A_214, %dma_start3A_217] : memref<16384x64xf32, #tpu.memory_space<hbm>> -> memref<128x64xf32, #tpu.memory_space<hbm>>
        tpu.enqueue_dma source(%arg8 : memref<128x64xf32, #tpu.memory_space<vmem>>) target(%dma_start3A_218 : memref<128x64xf32, #tpu.memory_space<hbm>>) target_semaphore(%run_scoped3A : memref<!tpu.dma_semaphore, #tpu.memory_space<semaphore_mem>>)
        %dma_wait3A_219 = arith.constant 0 : i32
        %dma_wait3A_220 = tpu.memref_slice %arg4[%mul3A_214, %dma_wait3A_219] : memref<16384x64xf32, #tpu.memory_space<hbm>> -> memref<128x64xf32, #tpu.memory_space<hbm>>
        %dma_wait3A_221 = arith.constant 0 : i32
        %dma_wait3A_222 = tpu.memref_slice %arg4[%mul3A_214, %dma_wait3A_221] : memref<16384x64xf32, #tpu.memory_space<hbm>> -> memref<128x64xf32, #tpu.memory_space<hbm>>
        tpu.wait_dma2 semaphore(%run_scoped3A : memref<!tpu.dma_semaphore, #tpu.memory_space<semaphore_mem>>) src(%arg8 : memref<128x64xf32, #tpu.memory_space<vmem>>) dst(%dma_wait3A_222 : memref<128x64xf32, #tpu.memory_space<hbm>>)
        tpu.yield
      }) : () -> ()
    }
    %scan3A_5 = arith.constant 4 : i32
    return
  }
}

module attributes {stable_mosaic.version = 14 : i64} {
  func.func @body(%arg0: i32, %arg1: memref<1024x64xf32, #tpu.memory_space<vmem>>, %arg2: memref<64x128xf32, #tpu.memory_space<vmem>>, %arg3: memref<1x128xf32, #tpu.memory_space<vmem>>, %arg4: memref<1024x128xf32, #tpu.memory_space<vmem>>) attributes {dimension_semantics = [#tpu.dimension_semantics<arbitrary>], iteration_bounds = array<i64: 16>, scalar_prefetch = 0 : i64, scratch_operands = 0 : i64, tpu.core_type = #tpu.core_type<tc>, window_params = [{transform_indices = @transform_0, window_bounds = array<i64: 1024, 64>}, {pipeline_mode = #tpu.pipeline_mode<synchronous>, transform_indices = @transform_1, window_bounds = array<i64: 64, 128>}, {pipeline_mode = #tpu.pipeline_mode<synchronous>, transform_indices = @transform_2, window_bounds = array<i64: 1, 128>}, {transform_indices = @transform_3, window_bounds = array<i64: 1024, 128>}]} {
    %get3A = arith.constant 0 : index
    %get3A_0 = arith.constant 0 : index
    %get3A_1 = vector.load %arg1[%get3A, %get3A_0] : memref<1024x64xf32, #tpu.memory_space<vmem>>, vector<1024x64xf32>
    %get3A_2 = arith.constant 0 : index
    %get3A_3 = arith.constant 0 : index
    %get3A_4 = vector.load %arg2[%get3A_2, %get3A_3] : memref<64x128xf32, #tpu.memory_space<vmem>>, vector<64x128xf32>
    %dot_general3A = arith.constant dense<0.000000e+00> : vector<1024x128xf32>
    %dot_general3A_5 = tpu.matmul %get3A_1, %get3A_4, %dot_general3A {dimension_numbers = #tpu.dot_dimension_numbers<[1], [0], [0], [1], [0, 0, 1, 1], [], []>, transpose_lhs_hint = false} : vector<1024x64xf32>, vector<64x128xf32>, vector<1024x128xf32> -> vector<1024x128xf32>
    %mul3A = arith.constant 5.000000e-03 : f32
    %mul3A_6 = vector.broadcast %mul3A : f32 to vector<1024x128xf32>
    %mul3A_7 = arith.mulf %dot_general3A_5, %mul3A_6 : vector<1024x128xf32>
    %get3A_8 = arith.constant 0 : index
    %get3A_9 = arith.constant 0 : index
    %get3A_10 = vector.load %arg3[%get3A_8, %get3A_9] : memref<1x128xf32, #tpu.memory_space<vmem>>, vector<1x128xf32>
    %add3A = vector.broadcast %get3A_10 : vector<1x128xf32> to vector<1024x128xf32>
    %add3A_11 = arith.addf %mul3A_7, %add3A : vector<1024x128xf32>
    %swap3A = arith.constant 0 : index
    %swap3A_12 = arith.constant 0 : index
    %swap3A_13 = vector.load %arg4[%swap3A, %swap3A_12] : memref<1024x128xf32, #tpu.memory_space<vmem>>, vector<1024x128xf32>
    tpu.vector_store %arg4[%swap3A, %swap3A_12], %add3A_11 {strides = array<i32>} : memref<1024x128xf32, #tpu.memory_space<vmem>>, vector<1024x128xf32>,
    return
  }
  func.func @transform_0(%arg0: i32) -> (i32, i32) {
    %c0_i32 = arith.constant 0 : i32
    %c0_i32_0 = arith.constant 0 : i32
    return %arg0, %c0_i32 : i32, i32
  }
  func.func @transform_1(%arg0: i32) -> (i32, i32) {
    %c0_i32 = arith.constant 0 : i32
    %c0_i32_0 = arith.constant 0 : i32
    %c0_i32_1 = arith.constant 0 : i32
    return %c0_i32, %c0_i32_0 : i32, i32
  }
  func.func @transform_2(%arg0: i32) -> (i32, i32) {
    %c0_i32 = arith.constant 0 : i32
    %c0_i32_0 = arith.constant 0 : i32
    %c0_i32_1 = arith.constant 0 : i32
    return %c0_i32, %c0_i32_0 : i32, i32
  }
  func.func @transform_3(%arg0: i32) -> (i32, i32) {
    %c0_i32 = arith.constant 0 : i32
    %c0_i32_0 = arith.constant 0 : i32
    return %arg0, %c0_i32 : i32, i32
  }
}

</mosaic_0001>

<sc_bundles>
// kernel: kernel.4.cloned.1.call-start
scs
__scs_entry_jumppad:
0x0: {  	(pc) =	sbr.rel $0x88, $3  }
0x1: {  	(tag) =	ssettag $0x0;
	lr =	simm.s32 $0x1  }
0x2: {  	[smem:$0x3F9D] =	sst lr;
	_ =	strace $0xD0000000  }
0x3: {  	_ = 	snop  }
0x4: {  	_ = 	snop  }
0x5: {  	_ = 	snop  }
0x6: {  	_ = 	snop  }
0x7: {  	_ = 	snop  }
__scs_overlays_trampoline_lowered:
0x8: {  	[smem:$0x3FAC] =	sst s0  }
0x9: {  	[smem:$0x3FAD] =	sst s1  }
0xa: {  	[smem:$0x3FAE] =	sst s2  }
0xb: {  	[smem:$0x3FAF] =	sst s3  }
0xc: {  	[smem:$0x3FB0] =	sst s4  }
0xd: {  	[smem:$0x3FB1] =	sst s5  }
0xe: {  	[smem:$0x3FB2] =	sst s6  }
0xf: {  	[smem:$0x3FB3] =	sst s7  }
0x10: {  	[smem:$0x3FB4] =	sst s8  }
0x11: {  	[smem:$0x3FB5] =	sst s9;
	s0 =	simm.s32 @!p0 $0x0  }
0x12: {  	s1 =	sld [smem:$0x3F9B];
	s0 =	simm.s32 @p0 $0x1  }
0x13: {  	[smem:$0x3FB6] =	sst s0;
	s0 =	simm.s32 @!p1 $0x0  }
0x14: {  	s2 =	sld [smem:$0x3F9A];
	s0 =	simm.s32 @p1 $0x1  }
0x15: {  	[smem:$0x3FB7] =	sst s0;
	s0 =	simm.s32 @!p2 $0x0  }
0x16: {  	s3 =	sld [smem:$0x3FDB];
	s0 =	simm.s32 @p2 $0x1  }
0x17: {  	s4 =	simm.s32 $0x1BF5;
	[smem:$0x3FB9] =	sst s0  }
0x18: {  	s0 =	sld [smem:$0x3F9C];
	_ =	swait.ge [sflag:s4], $0x0  }
0x19: {  	s7 =	sld [smem:$0x3F9D]  }
0x1a: {  	s8 =	sadd.s32 $0xFFFFE003, lr  }
0x1b: {  	s9 =	sadd.s32 $0xFFFFFEF7, lr;
	s5 =	simm.s32 $0xFFFFFFFF;
	p2 =	slt.u32 s8, $0xFFFFF086  }
0x1c: {  	p1 =	slt.u32 s9, $0xF7A;
	s5 =	simm.s32 @!p2 $0x0  }
0x1d: {  	s5 =	simm.s32 @p1 $0x1;
	p0 =	seq.s32 s7, s2  }
0x1e: {  	s7 =	smul.u32 @!p0 $0xF7A, s2;
	p2 =	seq.s32 @!p0 s5, $0x0  }
0x1f: {  	s9 =	smul.u32 $0xF7A, s1;
	s8 =	simm.s32 @!p0 $0x1BF5;
	p2 =	por !p2, p0  }
0x20: {  	[sflag:s8] =	ssyncset.s32 @!p0 $0xFFFFF086;
	s6 =	sadd.s32 @!p0 s3, s7;
	s7 =	simm.s32 @!p0 $0x108  }
0x21: {  	s3 =	sadd.s32 s3, s9;
	s6 =	sadd.s32 @!p0 $0x88, s6;
	s7 =	simm.s32 @p2 $0x1082  }
0x22: {  	[simem:s7], [sflag:s8] =	dma.local @!p0 [hbm:s6], $0xF7A  }
0x23: {  	s9 =	sor.u32 $0xD0000000, s2;
	s6 =	simm.s32 $0x108;
	_ =	swait.ge @!p0 [sflag:s8], $0x0  }
0x24: {  	s3 =	sadd.s32 $0x88, s3;
	s6 =	simm.s32 @!p1 $0x1082;
	[sflag:s4] =	ssyncset.s32 $0xFFFFF086  }
0x25: {  	[simem:s6], [sflag:s4] =	dma.local [hbm:s3], $0xF7A  }
0x26: {  	[smem:$0x3F9D] =	sst s1;
	(tag) =	ssettag s2;
	_ =	strace s9  }
0x27: {  	s1 =	sld [smem:$0x3FAD]  }
0x28: {  	s2 =	sld [smem:$0x3FAE]  }
0x29: {  	s4 =	sld [smem:$0x3FB0]  }
0x2a: {  	p0 =	seq.s32 s5, $0x0;
	s5 =	sld [smem:$0x3FB1]  }
0x2b: {  	s6 =	sld [smem:$0x3FB2]  }
0x2c: {  	s7 =	sld [smem:$0x3FB3]  }
0x2d: {  	s3 =	simm.s32 $0x108;
	s8 =	sld [smem:$0x3FB4]  }
0x2e: {  	s3 =	simm.s32 @!p0 $0x1082;
	s9 =	sld [smem:$0x3FB5]  }
0x2f: {  	lr =	sadd.s32 s0, s3;
	s0 =	sld [smem:$0x3FAC]  }
0x30: {  	s3 =	sld [smem:$0x3FAF]  }
0x31: {  	[smem:$0x3FB8] =	sst s10  }
0x32: {  	s10 =	sld [smem:$0x3FB6];
	_ =	sdelay $0x3  }
0x33: {  	p0 =	seq.s32 s10, $0x1;
	s10 =	sld [smem:$0x3FB8];
	_ =	sdelay $0x3  }
0x34: {  	[smem:$0x3FB8] =	sst s10  }
0x35: {  	s10 =	sld [smem:$0x3FB7];
	_ =	sdelay $0x3  }
0x36: {  	p1 =	seq.s32 s10, $0x1;
	s10 =	sld [smem:$0x3FB8];
	_ =	sdelay $0x3  }
0x37: {  	[smem:$0x3FB8] =	sst s10  }
0x38: {  	s10 =	sld [smem:$0x3FB9]  }
0x39: {  	_ = 	snop;
	(pc) =	sbr.ind lr, $3  }
0x3a: {  	_ = 	snop  }
0x3b: {  	_ = 	snop  }
0x3c: {  	p2 =	seq.s32 s10, $0x1;
	s10 =	sld [smem:$0x3FB8]  }
0x3d: {  	_ =	shalt  }
0x3e: {  	_ =	shalt  }
0x3f: {  	_ =	shalt  }
0x40: {  	_ =	shalt  }
0x41: {  	_ =	shalt  }
0x42: {  	_ =	shalt  }
0x43: {  	_ =	shalt  }
0x44: {  	_ =	shalt  }
0x45: {  	_ =	shalt  }
0x46: {  	_ =	shalt  }
0x47: {  	_ =	shalt  }
0x48: {  	_ =	shalt  }
0x49: {  	_ =	shalt  }
0x4a: {  	_ =	shalt  }
0x4b: {  	_ =	shalt  }
0x4c: {  	_ =	shalt  }
0x4d: {  	_ =	shalt  }
0x4e: {  	_ =	shalt  }
0x4f: {  	_ =	shalt  }
0x50: {  	_ =	shalt  }
0x51: {  	_ =	shalt  }
0x52: {  	_ =	shalt  }
0x53: {  	_ =	shalt  }
0x54: {  	_ =	shalt  }
0x55: {  	_ =	shalt  }
0x56: {  	_ =	shalt  }
0x57: {  	_ =	shalt  }
0x58: {  	_ =	shalt  }
0x59: {  	_ =	shalt  }
0x5a: {  	_ =	shalt  }
0x5b: {  	_ =	shalt  }
0x5c: {  	_ =	shalt  }
0x5d: {  	_ =	shalt  }
0x5e: {  	_ =	shalt  }
0x5f: {  	_ =	shalt  }
0x60: {  	_ =	shalt  }
0x61: {  	_ =	shalt  }
0x62: {  	_ =	shalt  }
0x63: {  	_ =	shalt  }
0x64: {  	_ =	shalt  }
0x65: {  	_ =	shalt  }
0x66: {  	_ =	shalt  }
0x67: {  	_ =	shalt  }
0x68: {  	_ =	shalt  }
0x69: {  	_ =	shalt  }
0x6a: {  	_ =	shalt  }
0x6b: {  	_ =	shalt  }
0x6c: {  	_ =	shalt  }
0x6d: {  	_ =	shalt  }
0x6e: {  	_ =	shalt  }
0x6f: {  	_ =	shalt  }
0x70: {  	_ =	shalt  }
0x71: {  	_ =	shalt  }
0x72: {  	_ =	shalt  }
0x73: {  	_ =	shalt  }
0x74: {  	_ =	shalt  }
0x75: {  	_ =	shalt  }
0x76: {  	_ =	shalt  }
0x77: {  	_ =	shalt  }
0x78: {  	_ =	shalt  }
0x79: {  	_ =	shalt  }
0x7a: {  	_ =	shalt  }
0x7b: {  	_ =	shalt  }
0x7c: {  	_ =	shalt  }
0x7d: {  	_ =	shalt  }
0x7e: {  	_ =	shalt  }
0x7f: {  	_ =	shalt  }
0x80: {  	_ =	shalt  }
0x81: {  	_ =	shalt  }
0x82: {  	_ =	shalt  }
0x83: {  	_ =	shalt  }
0x84: {  	_ =	shalt  }
0x85: {  	_ =	shalt  }
0x86: {  	_ =	shalt  }
0x87: {  	_ =	shalt  }
.Lfunc_end0:
.L_simem_size_0:
called_computation_lowered:
.L_overlay_start_0:
0x88: {  	s2 =	sld [smem:$0x3FD9]  }
0x89: {  	s3 =	sld [smem:$0x3FFE];
	_ =	sdelay $0x1  }
0x8a: {  	s1 =	srdreg.scid  }
0x8b: {  	s0 =	sand.u32 $0x1, s1  }
0x8c: {  	s17 =	sshll.u32 s0, $0xA;
	s2 =	sadd.s32 s3, s2  }
0x8d: {  	s2 =	sadd.s32 s2, s17  }
0x8e: {  	[smem:$0x3FC4] =	sst s2  }
0x8f: {  	_ = 	snop  }
0x90: {  	s2 =	sld [smem:$0x3FD0];
	(tm) =	ssettm $0x1  }
0x91: {  	s18 =	sld [smem:$0x3FFB];
	_ =	sdelay $0x3  }
0x92: {  	_ =	strace s18  }
0x93: {  	s3 =	sld [smem:$0x3FFC];
	_ =	sdelay $0x3  }
0x94: {  	_ =	strace s3  }
0x95: {  	s3 =	sld [smem:$0x3FFD];
	_ =	sdelay $0x3  }
0x96: {  	_ =	strace s3  }
0x97: {  	_ =	strace $0x8FFFFFFF  }
0x98: {  	s19 =	sld [smem:$0x3FDB];
	_ =	sdelay $0x1  }
0x99: {  	s4 =	simm.s32 $_scs_section_size  }
0x9a: {  	s5 =	simm.s32 $_size__tile_overlayer_lowered;
	s6 =	simm.s32 $_tile_overlayer_lowered  }
0x9b: {  	s22 =	simm.s32 $0x1BFF;
	s21 =	sshll.u32 s6, $0x1;
	s3 =	sadd.s32 s4, s19  }
0x9c: {  	s7 =	simm.s32 $0x0;
	s20 =	sshll.u32 s5, $0x1;
	s5 =	sadd.s32 s21, s3  }
0x9d: {  	[timem:s7], [sflag:s22] =	dma.local [hbm:s5], s20  }
0x9e: {  	_ =	swait.ge [sflag:s22], s20  }
0x9f: {  	s4 =	ssub.s32 $0x0, s20;
	[sflag:s22] =	ssyncset.done $0x0  }
0xa0: {  	[sflag:s22] =	ssyncadd.s32 s4;
	_ =	sdelay $0x1  }
0xa1: {  	s23 =	simm.s32 $0x1B8B  }
0xa2: {  	_ =	swait.ge [sflag:s23], $0x1  }
0xa3: {  	[sflag:s23] =	ssyncset.done $0x0  }
0xa4: {  	s25 =	simm.s32 $0x1B8E;
	s24 =	sld [smem:$0x3FFE];
	[sflag:s23] =	ssyncadd.s32 $0xFFFFFFFF  }
0xa5: {  	s26 =	simm.s32 $execute0_lowered;
	[smem:$0x3FD2] =	sst s25  }
0xa6: {  	s5 =	sshll.u32 s26, $0x1;
	_ =	strace $0x80000046;
	[dreg:$0x1] =	wrdreg $0xFFFFFFFF  }
0xa7: {  	s28 =	simm.s32 $_size_execute0_lowered;
	s3 =	sadd.s32 s3, s5;
	[dreg:$0x0] =	wrdreg $0x0  }
0xa8: {  	s5 =	sshll.u32 s28, $0x1;
	[dreg:$0x2] =	wrdreg s3  }
0xa9: {  	[dreg:$0x3] =	wrdreg s5  }
0xaa: {  	[dreg:$0x4] =	wrdreg $0xC0  }
0xab: {  	_ =	task [dreg:s7], $0x5FFFF  }
0xac: {  	[dreg:$0x1] =	wrdreg $0xFFFFFFFF  }
0xad: {  	[dreg:$0x0] =	wrdreg $0x60  }
0xae: {  	[dreg:$0x2] =	wrdreg s24  }
0xaf: {  	[dreg:$0x3] =	wrdreg s2  }
0xb0: {  	[dreg:$0x4] =	wrdreg $0x9  }
0xb1: {  	_ =	task.clear_ibuf [dreg:s7], $0x5FFFF;
	_ =	strace $0x90000046  }
0xb2: {  	s29 =	simm.s32 $0x9;
	_ =	strace $0x80000048  }
0xb3: {  	_ =	swait.ge [sflag:s29], $0x1  }
0xb4: {  	[sflag:s29] =	ssyncadd.s32 $0xFFFFFFFF  }
0xb5: {  	_ =	strace $0x90000048  }
0xb6: {  	_ =	sfence  }
0xb7: {  	s30 =	sld [smem:$0x0];
	_ =	sdelay $0x2  }
0xb8: {  	s31 =	sshll.u32 s1, $0xD;
	s1 =	sshrl.u32 s1, $0x2  }
0xb9: {  	s3 =	sand.u32 $0x4000, s31;
	s1 =	sadd.s32 s1, s30  }
0xba: {  	s0 =	sor.u32 s3, s0;
	s1 =	sshll.u32 s1, $0x11  }
0xbb: {  	s0 =	sor.u32 s1, s0  }
0xbc: {  	s0 =	sadd.s32 $0x8F2B, s0  }
0xbd: {  	[sflag:s0] =	ssyncadd.remote.s32 $0x1  }
0xbe: {  	_ =	sfence.sel $0xFFFF  }
0xbf: {  	[dreg:$0x0] =	wrdreg $0xFFFFFFFF;
	(pc) =	sbr.abs _section_cstart, $3  }
0xc0: {  	[dreg:$0x1] =	wrdreg $0xFFFFFFFF  }
0xc1: {  	_ =	task.clear_ibuf [dreg:s7], $0x2FFFF;
	_ =	strace $0x9FFFFFFF  }
0xc2: {  	(tm) =	ssettm $0x7FFFFFFF  }
0xc3: {  	_ =	shalt  }
tec
execute0_lowered:
.L_overlay_start_1:
0x0: {  	(tag) =	ssettag $0x1  }
0x1: {  	s3 =	rddreg [dreg:$0x0]  }
0x2: {  	s1 =	rddreg [dreg:$0x1]  }
0x3: {  	s0 =	rddreg [dreg:$0x2];
	s2 =	simm.s32 $0x0  }
0x4: {  	s4 =	srdreg.scid;
	v0 =	vlaneseq.u32;
	s9 =	simm.s32 $0x80;
	s10 =	simm.s32 $0x6400  }
0x5: {  	s11 =	simm.s32 $0x6500;
	s12 =	simm.s32 $0x6480;
	s13 =	simm.s32 $0x8500;
	v0 =	vmul.u32 $0xC8, v0  }
0x6: {  	s14 =	simm.s32 $0x1;
	v16 =	vimm.f32 $0.0e+00;
	s15 =	simm.s32 $0x2;
	s16 =	simm.s32 $0xA500  }
0x7: {  	s17 =	simm.s32 $0x0;
	[smem:$0x7FF] =	sst s2;
	s6 =	sand.u32 $0x1, s4;
	v1 =	vadd.s32 $0xC80, v0;
	v2 =	vadd.s32 $0x1900, v0;
	v3 =	vadd.s32 $0x2580, v0  }
0x8: {  	s4 =	sadd.s32 $0xA00, s3;
	s5 =	sadd.s32 $0xF42E00, s3;
	s7 =	ssub.s32 $0x2, s6;
	v4 =	vadd.s32 $0x3200, v0;
	v5 =	vadd.s32 $0x3E80, v0;
	v6 =	vadd.s32 $0x4B00, v0  }
0x9: {  	s3 =	stileid.u32;
	_ =	strace $0x80000047;
	s8 =	sshrl.u32 s7, $0x1;
	v7 =	vadd.s32 $0x5780, v0;
	v8 =	vor.u32 $0x1, v0;
	v9 =	vadd.s32 $0xC81, v0  }
0xa: {  	s31 =	sshll.u32 s3, $0x3;
	s6 =	sshll.u32 s6, $0x2;
	v10 =	vadd.s32 $0x1901, v0;
	v11 =	vadd.s32 $0x2581, v0;
	v12 =	vadd.s32 $0x3201, v0;
	s7 =	ssub.s32 s7, s8  }
0xb: {  	s6 =	sor.u32 s6, s31;
	v13 =	vadd.s32 $0x3E81, v0;
	v14 =	vadd.s32 $0x4B01, v0;
	v15 =	vadd.s32 $0x5781, v0;
	s8 =	simm.s32 $0x3;
	s7 =	smax.u32 s7, $0x1  }
.LBB2_1:
0xc: {  	s18 =	simm.s32 $0x0  }
.LBB2_2:
0xd: {  	s19 =	sadd.s32 s6, s18  }
0xe: {  	s20 =	smul.u32 $0xC80, s19;
	_ =	sdelay $0x1  }
0xf: {  	s20 =	sadd.s32 s4, s20  }
0x10: {  	[tilespmem:s2], [sflag:$0x3] =	stream.linear.gather [hbm4b:s20+s2], $0x6400, $0x38;
	[tilespmem:$0xC500] =	vst v63  }
0x11: {  	_ =	swait.ge [sflag:s8], $0x6400  }
0x12: {  	[sflag:s8] =	ssyncset.done $0x0  }
0x13: {  	[sflag:s8] =	ssyncadd.s32 $0xFFFF9C00  }
0x14: {  	v17 =	vld.idx.msk [tilespmem:v0+s2+$0x0], $0xffff;
	_ =	sdelay $0x4  }
0x15: {  	[tilespmem:$0x6400] =	vst v17  }
0x16: {  	v17 =	vld.idx.msk [tilespmem:v1+s2+$0x0], $0xffff;
	_ =	sdelay $0x4  }
0x17: {  	[tilespmem:$0x6410] =	vst v17  }
0x18: {  	v17 =	vld.idx.msk [tilespmem:v2+s2+$0x0], $0xffff;
	_ =	sdelay $0x4  }
0x19: {  	[tilespmem:$0x6420] =	vst v17  }
0x1a: {  	v17 =	vld.idx.msk [tilespmem:v3+s2+$0x0], $0xffff;
	_ =	sdelay $0x4  }
0x1b: {  	[tilespmem:$0x6430] =	vst v17  }
0x1c: {  	v17 =	vld.idx.msk [tilespmem:v4+s2+$0x0], $0xffff;
	_ =	sdelay $0x4  }
0x1d: {  	[tilespmem:$0x6440] =	vst v17  }
0x1e: {  	v17 =	vld.idx.msk [tilespmem:v5+s2+$0x0], $0xffff;
	_ =	sdelay $0x4  }
0x1f: {  	[tilespmem:$0x6450] =	vst v17  }
0x20: {  	v17 =	vld.idx.msk [tilespmem:v6+s2+$0x0], $0xffff;
	_ =	sdelay $0x4  }
0x21: {  	[tilespmem:$0x6460] =	vst v17  }
0x22: {  	v17 =	vld.idx.msk [tilespmem:v7+s2+$0x0], $0xffff;
	_ =	sdelay $0x4  }
0x23: {  	[tilespmem:$0x6470] =	vst v17  }
0x24: {  	[tilespmem:s11], [sflag:$0x1] =	stream.indirect.gather [hbm4b:s5+s9], $0x40, s10, s9, $0xb8;
	[tilespmem:$0xC500] =	vst v63  }
0x25: {  	v17 =	vld.idx.msk [tilespmem:v8+s2+$0x0], $0xffff;
	_ =	sdelay $0x4  }
0x26: {  	[tilespmem:$0x6480] =	vst v17  }
0x27: {  	v17 =	vld.idx.msk [tilespmem:v9+s2+$0x0], $0xffff;
	_ =	sdelay $0x4  }
0x28: {  	[tilespmem:$0x6490] =	vst v17  }
0x29: {  	v17 =	vld.idx.msk [tilespmem:v10+s2+$0x0], $0xffff;
	_ =	sdelay $0x4  }
0x2a: {  	[tilespmem:$0x64A0] =	vst v17  }
0x2b: {  	v17 =	vld.idx.msk [tilespmem:v11+s2+$0x0], $0xffff;
	_ =	sdelay $0x4  }
0x2c: {  	[tilespmem:$0x64B0] =	vst v17  }
0x2d: {  	v17 =	vld.idx.msk [tilespmem:v12+s2+$0x0], $0xffff;
	_ =	sdelay $0x4  }
0x2e: {  	[tilespmem:$0x64C0] =	vst v17  }
0x2f: {  	v17 =	vld.idx.msk [tilespmem:v13+s2+$0x0], $0xffff;
	_ =	sdelay $0x4  }
0x30: {  	[tilespmem:$0x64D0] =	vst v17  }
0x31: {  	v17 =	vld.idx.msk [tilespmem:v14+s2+$0x0], $0xffff;
	_ =	sdelay $0x4  }
0x32: {  	[tilespmem:$0x64E0] =	vst v17  }
0x33: {  	v17 =	vld.idx.msk [tilespmem:v15+s2+$0x0], $0xffff;
	_ =	sdelay $0x4  }
0x34: {  	s20 =	simm.s32 $0xA600;
	[tilespmem:$0x64F0] =	vst v17  }
0x35: {  	[tilespmem:s13], [sflag:$0x2] =	stream.indirect.gather [hbm4b:s5+s9], $0x40, s12, s9, $0xb8;
	[tilespmem:$0xC500] =	vst v63  }
0x36: {  	[tilespmem:s20+$0xFFFFFF00] =	vst v16  }
0x37: {  	[tilespmem:s20+$0xF0] =	vst v16  }
0x38: {  	[tilespmem:s20+$0xE0] =	vst v16  }
0x39: {  	[tilespmem:s20+$0xD0] =	vst v16  }
0x3a: {  	[tilespmem:s20+$0xC0] =	vst v16  }
0x3b: {  	[tilespmem:s20+$0xB0] =	vst v16  }
0x3c: {  	[tilespmem:s20+$0xA0] =	vst v16  }
0x3d: {  	[tilespmem:s20+$0x90] =	vst v16  }
0x3e: {  	[tilespmem:s20+$0x80] =	vst v16  }
0x3f: {  	[tilespmem:s20+$0x70] =	vst v16  }
0x40: {  	[tilespmem:s20+$0x60] =	vst v16  }
0x41: {  	[tilespmem:s20+$0x50] =	vst v16  }
0x42: {  	[tilespmem:s20+$0x40] =	vst v16  }
0x43: {  	[tilespmem:s20+$0x30] =	vst v16  }
0x44: {  	[tilespmem:s20+$0x20] =	vst v16  }
0x45: {  	[tilespmem:s20+$0x10] =	vst v16  }
0x46: {  	[tilespmem:s20+$0x0] =	vst v16  }
0x47: {  	[tilespmem:s20+$0xFFFFFFF0] =	vst v16  }
0x48: {  	[tilespmem:s20+$0xFFFFFFE0] =	vst v16  }
0x49: {  	[tilespmem:s20+$0xFFFFFFD0] =	vst v16  }
0x4a: {  	[tilespmem:s20+$0xFFFFFFC0] =	vst v16  }
0x4b: {  	[tilespmem:s20+$0xFFFFFFB0] =	vst v16  }
0x4c: {  	[tilespmem:s20+$0xFFFFFFA0] =	vst v16  }
0x4d: {  	[tilespmem:s20+$0xFFFFFF90] =	vst v16  }
0x4e: {  	[tilespmem:s20+$0xFFFFFF80] =	vst v16  }
0x4f: {  	[tilespmem:s20+$0xFFFFFF70] =	vst v16  }
0x50: {  	[tilespmem:s20+$0xFFFFFF60] =	vst v16  }
0x51: {  	[tilespmem:s20+$0xFFFFFF50] =	vst v16  }
0x52: {  	[tilespmem:s20+$0xFFFFFF40] =	vst v16  }
0x53: {  	[tilespmem:s20+$0xFFFFFF30] =	vst v16  }
0x54: {  	s21 =	simm.s32 $0x0;
	[tilespmem:s20+$0xFFFFFF20] =	vst v16  }
.LBB2_3:
0x55: {  	s21 =	sadd.s32 $0x8, s21;
	[tilespmem:s20+$0xFFFFFF10] =	vst v16;
	s20 =	sadd.s32 $0x200, s20  }
0x56: {  	[tilespmem:s20+$0xFFFFFF00] =	vst v16;
	p0 =	slt.u32 s21, $0x78  }
0x57: {  	[tilespmem:s20+$0xF0] =	vst v16  }
0x58: {  	[tilespmem:s20+$0xE0] =	vst v16  }
0x59: {  	[tilespmem:s20+$0xD0] =	vst v16  }
0x5a: {  	[tilespmem:s20+$0xC0] =	vst v16  }
0x5b: {  	[tilespmem:s20+$0xB0] =	vst v16  }
0x5c: {  	[tilespmem:s20+$0xA0] =	vst v16  }
0x5d: {  	[tilespmem:s20+$0x90] =	vst v16  }
0x5e: {  	[tilespmem:s20+$0x80] =	vst v16  }
0x5f: {  	[tilespmem:s20+$0x70] =	vst v16  }
0x60: {  	[tilespmem:s20+$0x60] =	vst v16  }
0x61: {  	[tilespmem:s20+$0x50] =	vst v16  }
0x62: {  	[tilespmem:s20+$0x40] =	vst v16  }
0x63: {  	[tilespmem:s20+$0x30] =	vst v16  }
0x64: {  	[tilespmem:s20+$0x20] =	vst v16  }
0x65: {  	[tilespmem:s20+$0x10] =	vst v16  }
0x66: {  	[tilespmem:s20+$0x0] =	vst v16  }
0x67: {  	[tilespmem:s20+$0xFFFFFFF0] =	vst v16  }
0x68: {  	[tilespmem:s20+$0xFFFFFFE0] =	vst v16  }
0x69: {  	[tilespmem:s20+$0xFFFFFFD0] =	vst v16  }
0x6a: {  	[tilespmem:s20+$0xFFFFFFC0] =	vst v16  }
0x6b: {  	[tilespmem:s20+$0xFFFFFFB0] =	vst v16  }
0x6c: {  	[tilespmem:s20+$0xFFFFFFA0] =	vst v16  }
0x6d: {  	[tilespmem:s20+$0xFFFFFF90] =	vst v16  }
0x6e: {  	[tilespmem:s20+$0xFFFFFF80] =	vst v16  }
0x6f: {  	[tilespmem:s20+$0xFFFFFF70] =	vst v16  }
.Ltmp0:
0x70: {  	[tilespmem:s20+$0xFFFFFF60] =	vst v16;
	(pc) =	sbr.rel @p0 .LBB2_3-.Ltmp0, $4  }
0x71: {  	[tilespmem:s20+$0xFFFFFF50] =	vst v16  }
0x72: {  	[tilespmem:s20+$0xFFFFFF40] =	vst v16  }
0x73: {  	[tilespmem:s20+$0xFFFFFF30] =	vst v16  }
0x74: {  	[tilespmem:s20+$0xFFFFFF20] =	vst v16  }
0x75: {  	[tilespmem:s20+$0xFFFFFF10] =	vst v16;
	s20 =	simm.s32 $0x0  }
.LBB2_5:
0x76: {  	_ =	swait.ge [sflag:s14], $0x2000  }
0x77: {  	[sflag:s14] =	ssyncset.done $0x0  }
0x78: {  	s22 =	simm.s32 $0x0;
	[sflag:s14] =	ssyncadd.s32 $0xFFFFE000  }
0x79: {  	v17 =	vld [tilespmem:s22+$0x66F0]  }
0x7a: {  	v18 =	vld [tilespmem:s22+$0x6500]  }
0x7b: {  	v19 =	vld [tilespmem:s22+$0x6510]  }
0x7c: {  	v20 =	vld [tilespmem:s22+$0x6520]  }
0x7d: {  	v21 =	vld [tilespmem:s22+$0x6530]  }
0x7e: {  	v22 =	vld [tilespmem:s22+$0x6540]  }
0x7f: {  	v23 =	vld [tilespmem:s22+$0x6550]  }
0x80: {  	v24 =	vld [tilespmem:s22+$0x6560]  }
0x81: {  	v25 =	vld [tilespmem:s22+$0x6570]  }
0x82: {  	v26 =	vld [tilespmem:s22+$0x6580]  }
0x83: {  	v27 =	vld [tilespmem:s22+$0x6590]  }
0x84: {  	v28 =	vld [tilespmem:s22+$0x65A0]  }
0x85: {  	v29 =	vld [tilespmem:s22+$0x65B0]  }
0x86: {  	v30 =	vld [tilespmem:s22+$0x65C0]  }
0x87: {  	v31 =	vld [tilespmem:s22+$0x65D0]  }
0x88: {  	v32 =	vld [tilespmem:s22+$0x65E0]  }
0x89: {  	v33 =	vld [tilespmem:s22+$0x65F0]  }
0x8a: {  	v34 =	vld [tilespmem:s22+$0x6600]  }
0x8b: {  	v35 =	vld [tilespmem:s22+$0x6610]  }
0x8c: {  	v36 =	vld [tilespmem:s22+$0x6620]  }
0x8d: {  	v37 =	vld [tilespmem:s22+$0x6630]  }
0x8e: {  	v38 =	vld [tilespmem:s22+$0x6640]  }
0x8f: {  	v39 =	vld [tilespmem:s22+$0x6650]  }
0x90: {  	v40 =	vld [tilespmem:s22+$0x6660]  }
0x91: {  	v41 =	vld [tilespmem:s22+$0x6670]  }
0x92: {  	v42 =	vld [tilespmem:s22+$0x6680]  }
0x93: {  	v43 =	vld [tilespmem:s22+$0x6690]  }
0x94: {  	v44 =	vld [tilespmem:s22+$0x66A0]  }
0x95: {  	v45 =	vld [tilespmem:s22+$0x66B0]  }
0x96: {  	v46 =	vld [tilespmem:s22+$0x66C0]  }
0x97: {  	v47 =	vld [tilespmem:s22+$0x66D0]  }
0x98: {  	[tilespmem:s22+$0xA6F0] =	vst.add.f32.msk $0xffff, v17  }
0x99: {  	v17 =	vld [tilespmem:s22+$0x66E0]  }
0x9a: {  	[tilespmem:s22+$0xA500] =	vst.add.f32.msk $0xffff, v18  }
0x9b: {  	[tilespmem:s22+$0xA510] =	vst.add.f32.msk $0xffff, v19  }
0x9c: {  	[tilespmem:s22+$0xA520] =	vst.add.f32.msk $0xffff, v20  }
0x9d: {  	[tilespmem:s22+$0xA530] =	vst.add.f32.msk $0xffff, v21  }
0x9e: {  	[tilespmem:s22+$0xA540] =	vst.add.f32.msk $0xffff, v22  }
0x9f: {  	[tilespmem:s22+$0xA550] =	vst.add.f32.msk $0xffff, v23  }
0xa0: {  	[tilespmem:s22+$0xA560] =	vst.add.f32.msk $0xffff, v24  }
0xa1: {  	[tilespmem:s22+$0xA570] =	vst.add.f32.msk $0xffff, v25  }
0xa2: {  	[tilespmem:s22+$0xA580] =	vst.add.f32.msk $0xffff, v26  }
0xa3: {  	[tilespmem:s22+$0xA590] =	vst.add.f32.msk $0xffff, v27  }
0xa4: {  	[tilespmem:s22+$0xA5A0] =	vst.add.f32.msk $0xffff, v28  }
0xa5: {  	[tilespmem:s22+$0xA5B0] =	vst.add.f32.msk $0xffff, v29  }
0xa6: {  	[tilespmem:s22+$0xA5C0] =	vst.add.f32.msk $0xffff, v30  }
0xa7: {  	[tilespmem:s22+$0xA5D0] =	vst.add.f32.msk $0xffff, v31  }
0xa8: {  	[tilespmem:s22+$0xA5E0] =	vst.add.f32.msk $0xffff, v32  }
0xa9: {  	[tilespmem:s22+$0xA5F0] =	vst.add.f32.msk $0xffff, v33  }
0xaa: {  	[tilespmem:s22+$0xA600] =	vst.add.f32.msk $0xffff, v34  }
0xab: {  	[tilespmem:s22+$0xA610] =	vst.add.f32.msk $0xffff, v35  }
0xac: {  	[tilespmem:s22+$0xA620] =	vst.add.f32.msk $0xffff, v36  }
0xad: {  	[tilespmem:s22+$0xA630] =	vst.add.f32.msk $0xffff, v37  }
0xae: {  	[tilespmem:s22+$0xA640] =	vst.add.f32.msk $0xffff, v38  }
0xaf: {  	[tilespmem:s22+$0xA650] =	vst.add.f32.msk $0xffff, v39  }
0xb0: {  	[tilespmem:s22+$0xA660] =	vst.add.f32.msk $0xffff, v40  }
0xb1: {  	[tilespmem:s22+$0xA670] =	vst.add.f32.msk $0xffff, v41  }
0xb2: {  	[tilespmem:s22+$0xA680] =	vst.add.f32.msk $0xffff, v42  }
0xb3: {  	[tilespmem:s22+$0xA690] =	vst.add.f32.msk $0xffff, v43  }
0xb4: {  	[tilespmem:s22+$0xA6A0] =	vst.add.f32.msk $0xffff, v44  }
0xb5: {  	[tilespmem:s22+$0xA6B0] =	vst.add.f32.msk $0xffff, v45  }
0xb6: {  	[tilespmem:s22+$0xA6C0] =	vst.add.f32.msk $0xffff, v46  }
0xb7: {  	s21 =	simm.s32 $0x0;
	s23 =	simm.s32 $0x800;
	[tilespmem:s22+$0xA6D0] =	vst.add.f32.msk $0xffff, v47  }
.LBB2_6:
0xb8: {  	s21 =	sadd.s32 $0x8, s21;
	[tilespmem:s22+$0xA6E0] =	vst.add.f32.msk $0xffff, v17;
	s22 =	sshra.s32 s23, $0x2  }
0xb9: {  	v17 =	vld [tilespmem:s22+$0x66F0];
	p0 =	slt.u32 s21, $0x78  }
0xba: {  	v18 =	vld [tilespmem:s22+$0x6500]  }
0xbb: {  	v19 =	vld [tilespmem:s22+$0x6510]  }
0xbc: {  	v20 =	vld [tilespmem:s22+$0x6520]  }
0xbd: {  	v21 =	vld [tilespmem:s22+$0x6530]  }
0xbe: {  	[tilespmem:s22+$0xA6F0] =	vst.add.f32.msk $0xffff, v17  }
0xbf: {  	v22 =	vld [tilespmem:s22+$0x6540]  }
0xc0: {  	v23 =	vld [tilespmem:s22+$0x6550]  }
0xc1: {  	v24 =	vld [tilespmem:s22+$0x6560]  }
0xc2: {  	v25 =	vld [tilespmem:s22+$0x6570]  }
0xc3: {  	v26 =	vld [tilespmem:s22+$0x6580]  }
0xc4: {  	v27 =	vld [tilespmem:s22+$0x6590]  }
0xc5: {  	v28 =	vld [tilespmem:s22+$0x65A0]  }
0xc6: {  	v29 =	vld [tilespmem:s22+$0x65B0]  }
0xc7: {  	v30 =	vld [tilespmem:s22+$0x65C0]  }
0xc8: {  	v31 =	vld [tilespmem:s22+$0x65D0]  }
0xc9: {  	v32 =	vld [tilespmem:s22+$0x65E0]  }
0xca: {  	v33 =	vld [tilespmem:s22+$0x65F0]  }
0xcb: {  	v34 =	vld [tilespmem:s22+$0x6600]  }
0xcc: {  	v35 =	vld [tilespmem:s22+$0x6610]  }
0xcd: {  	v36 =	vld [tilespmem:s22+$0x6620]  }
0xce: {  	v37 =	vld [tilespmem:s22+$0x6630]  }
0xcf: {  	v38 =	vld [tilespmem:s22+$0x6640]  }
0xd0: {  	v39 =	vld [tilespmem:s22+$0x6650]  }
0xd1: {  	v40 =	vld [tilespmem:s22+$0x6660]  }
0xd2: {  	v41 =	vld [tilespmem:s22+$0x6670]  }
0xd3: {  	v42 =	vld [tilespmem:s22+$0x6680]  }
0xd4: {  	v43 =	vld [tilespmem:s22+$0x6690]  }
0xd5: {  	v44 =	vld [tilespmem:s22+$0x66A0]  }
0xd6: {  	v45 =	vld [tilespmem:s22+$0x66B0]  }
0xd7: {  	v46 =	vld [tilespmem:s22+$0x66C0]  }
0xd8: {  	v47 =	vld [tilespmem:s22+$0x66D0]  }
0xd9: {  	v17 =	vld [tilespmem:s22+$0x66E0]  }
0xda: {  	[tilespmem:s22+$0xA500] =	vst.add.f32.msk $0xffff, v18  }
0xdb: {  	[tilespmem:s22+$0xA510] =	vst.add.f32.msk $0xffff, v19  }
0xdc: {  	[tilespmem:s22+$0xA520] =	vst.add.f32.msk $0xffff, v20  }
0xdd: {  	[tilespmem:s22+$0xA530] =	vst.add.f32.msk $0xffff, v21  }
0xde: {  	[tilespmem:s22+$0xA540] =	vst.add.f32.msk $0xffff, v22  }
0xdf: {  	[tilespmem:s22+$0xA550] =	vst.add.f32.msk $0xffff, v23  }
0xe0: {  	[tilespmem:s22+$0xA560] =	vst.add.f32.msk $0xffff, v24  }
0xe1: {  	[tilespmem:s22+$0xA570] =	vst.add.f32.msk $0xffff, v25  }
0xe2: {  	[tilespmem:s22+$0xA580] =	vst.add.f32.msk $0xffff, v26  }
0xe3: {  	[tilespmem:s22+$0xA590] =	vst.add.f32.msk $0xffff, v27  }
0xe4: {  	[tilespmem:s22+$0xA5A0] =	vst.add.f32.msk $0xffff, v28  }
0xe5: {  	[tilespmem:s22+$0xA5B0] =	vst.add.f32.msk $0xffff, v29  }
0xe6: {  	[tilespmem:s22+$0xA5C0] =	vst.add.f32.msk $0xffff, v30  }
0xe7: {  	[tilespmem:s22+$0xA5D0] =	vst.add.f32.msk $0xffff, v31  }
0xe8: {  	[tilespmem:s22+$0xA5E0] =	vst.add.f32.msk $0xffff, v32  }
0xe9: {  	[tilespmem:s22+$0xA5F0] =	vst.add.f32.msk $0xffff, v33  }
0xea: {  	[tilespmem:s22+$0xA600] =	vst.add.f32.msk $0xffff, v34  }
0xeb: {  	[tilespmem:s22+$0xA610] =	vst.add.f32.msk $0xffff, v35  }
0xec: {  	[tilespmem:s22+$0xA620] =	vst.add.f32.msk $0xffff, v36  }
0xed: {  	[tilespmem:s22+$0xA630] =	vst.add.f32.msk $0xffff, v37  }
0xee: {  	[tilespmem:s22+$0xA640] =	vst.add.f32.msk $0xffff, v38  }
0xef: {  	[tilespmem:s22+$0xA650] =	vst.add.f32.msk $0xffff, v39  }
0xf0: {  	[tilespmem:s22+$0xA660] =	vst.add.f32.msk $0xffff, v40  }
0xf1: {  	[tilespmem:s22+$0xA670] =	vst.add.f32.msk $0xffff, v41  }
0xf2: {  	[tilespmem:s22+$0xA680] =	vst.add.f32.msk $0xffff, v42  }
.Ltmp1:
0xf3: {  	[tilespmem:s22+$0xA690] =	vst.add.f32.msk $0xffff, v43;
	(pc) =	sbr.rel @p0 .LBB2_6-.Ltmp1, $4  }
0xf4: {  	[tilespmem:s22+$0xA6A0] =	vst.add.f32.msk $0xffff, v44  }
0xf5: {  	[tilespmem:s22+$0xA6B0] =	vst.add.f32.msk $0xffff, v45  }
0xf6: {  	[tilespmem:s22+$0xA6C0] =	vst.add.f32.msk $0xffff, v46  }
0xf7: {  	s23 =	sadd.s32 $0x800, s23;
	[tilespmem:s22+$0xA6D0] =	vst.add.f32.msk $0xffff, v47  }
0xf8: {  	s21 =	sshll.u32 s20, $0x1  }
0xf9: {  	s23 =	smin.u32 s21, $0xC5  }
0xfa: {  	s23 =	sadd.s32 $0x2, s23  }
0xfb: {  	v18 =	vadd.s32 s23, v0;
	_ =	sdelay $0x3  }
0xfc: {  	[tilespmem:s22+$0xA6E0] =	vst.add.f32.msk $0xffff, v17;
	s31 =	simm.s32 $0x0  }
0xfd: {  	v17 =	vld.idx.msk [tilespmem:v18+s31+$0x0], $0xffff  }
0xfe: {  	v18 =	vadd.s32 s23, v1;
	_ =	sdelay $0x3  }
0xff: {  	[tilespmem:$0x6400] =	vst v17  }
0x100: {  	v17 =	vld.idx.msk [tilespmem:v18+s31+$0x0], $0xffff  }
0x101: {  	v18 =	vadd.s32 s23, v2;
	_ =	sdelay $0x3  }
0x102: {  	[tilespmem:$0x6410] =	vst v17  }
0x103: {  	v17 =	vld.idx.msk [tilespmem:v18+s31+$0x0], $0xffff  }
0x104: {  	v18 =	vadd.s32 s23, v3;
	_ =	sdelay $0x3  }
0x105: {  	[tilespmem:$0x6420] =	vst v17  }
0x106: {  	v17 =	vld.idx.msk [tilespmem:v18+s31+$0x0], $0xffff  }
0x107: {  	v18 =	vadd.s32 s23, v4;
	_ =	sdelay $0x3  }
0x108: {  	[tilespmem:$0x6430] =	vst v17  }
0x109: {  	v17 =	vld.idx.msk [tilespmem:v18+s31+$0x0], $0xffff  }
0x10a: {  	v18 =	vadd.s32 s23, v5;
	_ =	sdelay $0x3  }
0x10b: {  	[tilespmem:$0x6440] =	vst v17  }
0x10c: {  	v17 =	vld.idx.msk [tilespmem:v18+s31+$0x0], $0xffff  }
0x10d: {  	v18 =	vadd.s32 s23, v6;
	_ =	sdelay $0x3  }
0x10e: {  	[tilespmem:$0x6450] =	vst v17  }
0x10f: {  	v17 =	vld.idx.msk [tilespmem:v18+s31+$0x0], $0xffff  }
0x110: {  	v18 =	vadd.s32 s23, v7;
	_ =	sdelay $0x3  }
0x111: {  	[tilespmem:$0x6460] =	vst v17  }
0x112: {  	v17 =	vld.idx.msk [tilespmem:v18+s31+$0x0], $0xffff;
	_ =	sdelay $0x4  }
0x113: {  	[tilespmem:$0x6470] =	vst v17  }
0x114: {  	[tilespmem:s11], [sflag:$0x1] =	stream.indirect.gather [hbm4b:s5+s9], $0x40, s10, s9, $0xb8;
	[tilespmem:$0xC500] =	vst v63  }
0x115: {  	_ =	swait.ge [sflag:s15], $0x2000  }
0x116: {  	[sflag:s15] =	ssyncset.done $0x0  }
0x117: {  	s22 =	simm.s32 $0x0;
	[sflag:s15] =	ssyncadd.s32 $0xFFFFE000  }
0x118: {  	v17 =	vld [tilespmem:s22+$0x86F0]  }
0x119: {  	v18 =	vld [tilespmem:s22+$0x8500]  }
0x11a: {  	v19 =	vld [tilespmem:s22+$0x8510]  }
0x11b: {  	v20 =	vld [tilespmem:s22+$0x8520]  }
0x11c: {  	v21 =	vld [tilespmem:s22+$0x8530]  }
0x11d: {  	v22 =	vld [tilespmem:s22+$0x8540]  }
0x11e: {  	v23 =	vld [tilespmem:s22+$0x8550]  }
0x11f: {  	v24 =	vld [tilespmem:s22+$0x8560]  }
0x120: {  	v25 =	vld [tilespmem:s22+$0x8570]  }
0x121: {  	v26 =	vld [tilespmem:s22+$0x8580]  }
0x122: {  	v27 =	vld [tilespmem:s22+$0x8590]  }
0x123: {  	v28 =	vld [tilespmem:s22+$0x85A0]  }
0x124: {  	v29 =	vld [tilespmem:s22+$0x85B0]  }
0x125: {  	v30 =	vld [tilespmem:s22+$0x85C0]  }
0x126: {  	v31 =	vld [tilespmem:s22+$0x85D0]  }
0x127: {  	v32 =	vld [tilespmem:s22+$0x85E0]  }
0x128: {  	v33 =	vld [tilespmem:s22+$0x85F0]  }
0x129: {  	v34 =	vld [tilespmem:s22+$0x8600]  }
0x12a: {  	v35 =	vld [tilespmem:s22+$0x8610]  }
0x12b: {  	v36 =	vld [tilespmem:s22+$0x8620]  }
0x12c: {  	v37 =	vld [tilespmem:s22+$0x8630]  }
0x12d: {  	v38 =	vld [tilespmem:s22+$0x8640]  }
0x12e: {  	v39 =	vld [tilespmem:s22+$0x8650]  }
0x12f: {  	v40 =	vld [tilespmem:s22+$0x8660]  }
0x130: {  	v41 =	vld [tilespmem:s22+$0x8670]  }
0x131: {  	v42 =	vld [tilespmem:s22+$0x8680]  }
0x132: {  	v43 =	vld [tilespmem:s22+$0x8690]  }
0x133: {  	v44 =	vld [tilespmem:s22+$0x86A0]  }
0x134: {  	v45 =	vld [tilespmem:s22+$0x86B0]  }
0x135: {  	v46 =	vld [tilespmem:s22+$0x86C0]  }
0x136: {  	v47 =	vld [tilespmem:s22+$0x86D0]  }
0x137: {  	[tilespmem:s22+$0xA6F0] =	vst.add.f32.msk $0xffff, v17  }
0x138: {  	v17 =	vld [tilespmem:s22+$0x86E0]  }
0x139: {  	[tilespmem:s22+$0xA500] =	vst.add.f32.msk $0xffff, v18  }
0x13a: {  	[tilespmem:s22+$0xA510] =	vst.add.f32.msk $0xffff, v19  }
0x13b: {  	[tilespmem:s22+$0xA520] =	vst.add.f32.msk $0xffff, v20  }
0x13c: {  	[tilespmem:s22+$0xA530] =	vst.add.f32.msk $0xffff, v21  }
0x13d: {  	[tilespmem:s22+$0xA540] =	vst.add.f32.msk $0xffff, v22  }
0x13e: {  	[tilespmem:s22+$0xA550] =	vst.add.f32.msk $0xffff, v23  }
0x13f: {  	[tilespmem:s22+$0xA560] =	vst.add.f32.msk $0xffff, v24  }
0x140: {  	[tilespmem:s22+$0xA570] =	vst.add.f32.msk $0xffff, v25  }
0x141: {  	[tilespmem:s22+$0xA580] =	vst.add.f32.msk $0xffff, v26  }
0x142: {  	[tilespmem:s22+$0xA590] =	vst.add.f32.msk $0xffff, v27  }
0x143: {  	[tilespmem:s22+$0xA5A0] =	vst.add.f32.msk $0xffff, v28  }
0x144: {  	[tilespmem:s22+$0xA5B0] =	vst.add.f32.msk $0xffff, v29  }
0x145: {  	[tilespmem:s22+$0xA5C0] =	vst.add.f32.msk $0xffff, v30  }
0x146: {  	[tilespmem:s22+$0xA5D0] =	vst.add.f32.msk $0xffff, v31  }
0x147: {  	[tilespmem:s22+$0xA5E0] =	vst.add.f32.msk $0xffff, v32  }
0x148: {  	[tilespmem:s22+$0xA5F0] =	vst.add.f32.msk $0xffff, v33  }
0x149: {  	[tilespmem:s22+$0xA600] =	vst.add.f32.msk $0xffff, v34  }
0x14a: {  	[tilespmem:s22+$0xA610] =	vst.add.f32.msk $0xffff, v35  }
0x14b: {  	[tilespmem:s22+$0xA620] =	vst.add.f32.msk $0xffff, v36  }
0x14c: {  	[tilespmem:s22+$0xA630] =	vst.add.f32.msk $0xffff, v37  }
0x14d: {  	[tilespmem:s22+$0xA640] =	vst.add.f32.msk $0xffff, v38  }
0x14e: {  	[tilespmem:s22+$0xA650] =	vst.add.f32.msk $0xffff, v39  }
0x14f: {  	[tilespmem:s22+$0xA660] =	vst.add.f32.msk $0xffff, v40  }
0x150: {  	[tilespmem:s22+$0xA670] =	vst.add.f32.msk $0xffff, v41  }
0x151: {  	[tilespmem:s22+$0xA680] =	vst.add.f32.msk $0xffff, v42  }
0x152: {  	[tilespmem:s22+$0xA690] =	vst.add.f32.msk $0xffff, v43  }
0x153: {  	[tilespmem:s22+$0xA6A0] =	vst.add.f32.msk $0xffff, v44  }
0x154: {  	[tilespmem:s22+$0xA6B0] =	vst.add.f32.msk $0xffff, v45  }
0x155: {  	[tilespmem:s22+$0xA6C0] =	vst.add.f32.msk $0xffff, v46  }
0x156: {  	s24 =	simm.s32 $0x800;
	s23 =	simm.s32 $0x0;
	[tilespmem:s22+$0xA6D0] =	vst.add.f32.msk $0xffff, v47  }
.LBB2_8:
0x157: {  	s23 =	sadd.s32 $0x8, s23;
	[tilespmem:s22+$0xA6E0] =	vst.add.f32.msk $0xffff, v17;
	s22 =	sshra.s32 s24, $0x2  }
0x158: {  	v17 =	vld [tilespmem:s22+$0x86F0];
	p0 =	slt.u32 s23, $0x78  }
0x159: {  	v18 =	vld [tilespmem:s22+$0x8500]  }
0x15a: {  	v19 =	vld [tilespmem:s22+$0x8510]  }
0x15b: {  	v20 =	vld [tilespmem:s22+$0x8520]  }
0x15c: {  	v21 =	vld [tilespmem:s22+$0x8530]  }
0x15d: {  	[tilespmem:s22+$0xA6F0] =	vst.add.f32.msk $0xffff, v17  }
0x15e: {  	v22 =	vld [tilespmem:s22+$0x8540]  }
0x15f: {  	v23 =	vld [tilespmem:s22+$0x8550]  }
0x160: {  	v24 =	vld [tilespmem:s22+$0x8560]  }
0x161: {  	v25 =	vld [tilespmem:s22+$0x8570]  }
0x162: {  	v26 =	vld [tilespmem:s22+$0x8580]  }
0x163: {  	v27 =	vld [tilespmem:s22+$0x8590]  }
0x164: {  	v28 =	vld [tilespmem:s22+$0x85A0]  }
0x165: {  	v29 =	vld [tilespmem:s22+$0x85B0]  }
0x166: {  	v30 =	vld [tilespmem:s22+$0x85C0]  }
0x167: {  	v31 =	vld [tilespmem:s22+$0x85D0]  }
0x168: {  	v32 =	vld [tilespmem:s22+$0x85E0]  }
0x169: {  	v33 =	vld [tilespmem:s22+$0x85F0]  }
0x16a: {  	v34 =	vld [tilespmem:s22+$0x8600]  }
0x16b: {  	v35 =	vld [tilespmem:s22+$0x8610]  }
0x16c: {  	v36 =	vld [tilespmem:s22+$0x8620]  }
0x16d: {  	v37 =	vld [tilespmem:s22+$0x8630]  }
0x16e: {  	v38 =	vld [tilespmem:s22+$0x8640]  }
0x16f: {  	v39 =	vld [tilespmem:s22+$0x8650]  }
0x170: {  	v40 =	vld [tilespmem:s22+$0x8660]  }
0x171: {  	v41 =	vld [tilespmem:s22+$0x8670]  }
0x172: {  	v42 =	vld [tilespmem:s22+$0x8680]  }
0x173: {  	v43 =	vld [tilespmem:s22+$0x8690]  }
0x174: {  	v44 =	vld [tilespmem:s22+$0x86A0]  }
0x175: {  	v45 =	vld [tilespmem:s22+$0x86B0]  }
0x176: {  	v46 =	vld [tilespmem:s22+$0x86C0]  }
0x177: {  	v47 =	vld [tilespmem:s22+$0x86D0]  }
0x178: {  	v17 =	vld [tilespmem:s22+$0x86E0]  }
0x179: {  	[tilespmem:s22+$0xA500] =	vst.add.f32.msk $0xffff, v18  }
0x17a: {  	[tilespmem:s22+$0xA510] =	vst.add.f32.msk $0xffff, v19  }
0x17b: {  	[tilespmem:s22+$0xA520] =	vst.add.f32.msk $0xffff, v20  }
0x17c: {  	[tilespmem:s22+$0xA530] =	vst.add.f32.msk $0xffff, v21  }
0x17d: {  	[tilespmem:s22+$0xA540] =	vst.add.f32.msk $0xffff, v22  }
0x17e: {  	[tilespmem:s22+$0xA550] =	vst.add.f32.msk $0xffff, v23  }
0x17f: {  	[tilespmem:s22+$0xA560] =	vst.add.f32.msk $0xffff, v24  }
0x180: {  	[tilespmem:s22+$0xA570] =	vst.add.f32.msk $0xffff, v25  }
0x181: {  	[tilespmem:s22+$0xA580] =	vst.add.f32.msk $0xffff, v26  }
0x182: {  	[tilespmem:s22+$0xA590] =	vst.add.f32.msk $0xffff, v27  }
0x183: {  	[tilespmem:s22+$0xA5A0] =	vst.add.f32.msk $0xffff, v28  }
0x184: {  	[tilespmem:s22+$0xA5B0] =	vst.add.f32.msk $0xffff, v29  }
0x185: {  	[tilespmem:s22+$0xA5C0] =	vst.add.f32.msk $0xffff, v30  }
0x186: {  	[tilespmem:s22+$0xA5D0] =	vst.add.f32.msk $0xffff, v31  }
0x187: {  	[tilespmem:s22+$0xA5E0] =	vst.add.f32.msk $0xffff, v32  }
0x188: {  	[tilespmem:s22+$0xA5F0] =	vst.add.f32.msk $0xffff, v33  }
0x189: {  	[tilespmem:s22+$0xA600] =	vst.add.f32.msk $0xffff, v34  }
0x18a: {  	[tilespmem:s22+$0xA610] =	vst.add.f32.msk $0xffff, v35  }
0x18b: {  	[tilespmem:s22+$0xA620] =	vst.add.f32.msk $0xffff, v36  }
0x18c: {  	[tilespmem:s22+$0xA630] =	vst.add.f32.msk $0xffff, v37  }
0x18d: {  	[tilespmem:s22+$0xA640] =	vst.add.f32.msk $0xffff, v38  }
0x18e: {  	[tilespmem:s22+$0xA650] =	vst.add.f32.msk $0xffff, v39  }
0x18f: {  	[tilespmem:s22+$0xA660] =	vst.add.f32.msk $0xffff, v40  }
0x190: {  	[tilespmem:s22+$0xA670] =	vst.add.f32.msk $0xffff, v41  }
0x191: {  	[tilespmem:s22+$0xA680] =	vst.add.f32.msk $0xffff, v42  }
.Ltmp2:
0x192: {  	[tilespmem:s22+$0xA690] =	vst.add.f32.msk $0xffff, v43;
	(pc) =	sbr.rel @p0 .LBB2_8-.Ltmp2, $4  }
0x193: {  	[tilespmem:s22+$0xA6A0] =	vst.add.f32.msk $0xffff, v44  }
0x194: {  	[tilespmem:s22+$0xA6B0] =	vst.add.f32.msk $0xffff, v45  }
0x195: {  	[tilespmem:s22+$0xA6C0] =	vst.add.f32.msk $0xffff, v46  }
0x196: {  	s24 =	sadd.s32 $0x800, s24;
	[tilespmem:s22+$0xA6D0] =	vst.add.f32.msk $0xffff, v47  }
0x197: {  	s21 =	smin.u32 s21, $0xC4  }
0x198: {  	s21 =	sadd.s32 $0x3, s21  }
0x199: {  	v18 =	vadd.s32 s21, v0;
	_ =	sdelay $0x3  }
0x19a: {  	[tilespmem:s22+$0xA6E0] =	vst.add.f32.msk $0xffff, v17  }
0x19b: {  	v17 =	vld.idx.msk [tilespmem:v18+s2+$0x0], $0xffff  }
0x19c: {  	v18 =	vadd.s32 s21, v1;
	_ =	sdelay $0x3  }
0x19d: {  	[tilespmem:$0x6480] =	vst v17  }
0x19e: {  	v17 =	vld.idx.msk [tilespmem:v18+s2+$0x0], $0xffff  }
0x19f: {  	v18 =	vadd.s32 s21, v2;
	_ =	sdelay $0x3  }
0x1a0: {  	[tilespmem:$0x6490] =	vst v17  }
0x1a1: {  	v17 =	vld.idx.msk [tilespmem:v18+s2+$0x0], $0xffff  }
0x1a2: {  	v18 =	vadd.s32 s21, v3;
	_ =	sdelay $0x3  }
0x1a3: {  	[tilespmem:$0x64A0] =	vst v17  }
0x1a4: {  	v17 =	vld.idx.msk [tilespmem:v18+s2+$0x0], $0xffff  }
0x1a5: {  	v18 =	vadd.s32 s21, v4;
	_ =	sdelay $0x3  }
0x1a6: {  	[tilespmem:$0x64B0] =	vst v17  }
0x1a7: {  	v17 =	vld.idx.msk [tilespmem:v18+s2+$0x0], $0xffff  }
0x1a8: {  	v18 =	vadd.s32 s21, v5;
	_ =	sdelay $0x3  }
0x1a9: {  	[tilespmem:$0x64C0] =	vst v17  }
0x1aa: {  	v17 =	vld.idx.msk [tilespmem:v18+s2+$0x0], $0xffff  }
0x1ab: {  	v18 =	vadd.s32 s21, v6;
	_ =	sdelay $0x3  }
0x1ac: {  	[tilespmem:$0x64D0] =	vst v17  }
0x1ad: {  	v17 =	vld.idx.msk [tilespmem:v18+s2+$0x0], $0xffff  }
0x1ae: {  	v18 =	vadd.s32 s21, v7;
	_ =	sdelay $0x3  }
0x1af: {  	[tilespmem:$0x64E0] =	vst v17  }
0x1b0: {  	s20 =	sadd.s32 $0x1, s20;
	v17 =	vld.idx.msk [tilespmem:v18+s2+$0x0], $0xffff  }
0x1b1: {  	p0 =	sne.s32 s20, $0x64  }
.Ltmp3:
0x1b2: {  	_ = 	snop;
	(pc) =	sbr.rel @p0 .LBB2_5-.Ltmp3, $3  }
0x1b3: {  	_ =	sdelay $0x1  }
0x1b4: {  	[tilespmem:$0x64F0] =	vst v17  }
0x1b5: {  	[tilespmem:s13], [sflag:$0x2] =	stream.indirect.gather [hbm4b:s5+s9], $0x40, s12, s9, $0xb8;
	[tilespmem:$0xC500] =	vst v63  }
0x1b6: {  	_ =	swait.ge [sflag:s14], $0x2000  }
0x1b7: {  	[sflag:s14] =	ssyncset.done $0x0  }
0x1b8: {  	[sflag:s14] =	ssyncadd.s32 $0xFFFFE000  }
0x1b9: {  	s18 =	sadd.s32 $0x1, s18;
	_ =	swait.ge [sflag:s15], $0x2000  }
0x1ba: {  	s19 =	sshll.u32 s19, $0xA;
	p0 =	sne.s32 s18, $0x4;
	[sflag:s15] =	ssyncset.done $0x0  }
.Ltmp4:
0x1bb: {  	s19 =	sadd.s32 s1, s19;
	[sflag:s15] =	ssyncadd.s32 $0xFFFFE000;
	(pc) =	sbr.rel @p0 .LBB2_2-.Ltmp4, $4  }
0x1bc: {  	[hbm4b:s19+s2] =	stream.linear.scatter [tilespmem:s16], [sflag:$0x3], $0x2000, $0x38;
	[tilespmem:$0xC500] =	vst v63  }
0x1bd: {  	_ =	swait.ge [sflag:s8], $0x2000  }
0x1be: {  	[sflag:s8] =	ssyncset.done $0x0  }
0x1bf: {  	[sflag:s8] =	ssyncadd.s32 $0xFFFFE000  }
0x1c0: {  	s17 =	sadd.s32 $0x1, s17  }
0x1c1: {  	p0 =	sne.s32 s17, s7  }
.Ltmp5:
0x1c2: {  	_ = 	snop;
	(pc) =	sbr.rel @p0 .LBB2_1-.Ltmp5, $1  }
0x1c3: {  	_ =	sdelay $0x3  }
0x1c4: {  	_ =	sfence.sel $0x180000  }
0x1c5: {  	[bflag:$0x0] =	sbarrier.arrive $0xFFFF  }
0x1c6: {  	p0 =	sne.s32 s3, $0x0;
	_ =	strace $0x90000047  }
0x1c7: {  	s0 =	sadd.s32 @!p0 $0x100000, s0;
	[bflag:$0x2] =	sbarrier.arrive $0xFFFF  }
0x1c8: {  	[sflag:s0] =	ssyncadd.tile.s32 @!p0 $0x1;
	_ =	shalt  }
.Lfunc_end2:
_tile_overlayer_lowered:
.L_overlay_start_2:
0x1c9: {  	(tag) =	ssettag $0x2  }
0x1ca: {  	s0 =	rddreg [dreg:$0x0];
	s2 =	stileid.u32  }
0x1cb: {  	s1 =	rddreg [dreg:$0x1];
	p0 =	sne.s32 s2, $0x0  }
0x1cc: {  	s3 =	rddreg [dreg:$0x2];
	[bflag:$0x3] =	sbarrier.arrive $0xFFFF;
	s2 =	simm.s32 @!p0 $0x1C03  }
0x1cd: {  	[timem:s3], [sflag:s2] =	dma.local @!p0 [hbm:s0], s1  }
0x1ce: {  	s0 =	simm.s32 @!p0 $0x3  }
0x1cf: {  	_ =	swait.ge @!p0 [sflag:s0], s1  }
0x1d0: {  	s1 =	ssub.s32 @!p0 $0x0, s1;
	[sflag:s0] =	ssyncset.done @!p0 $0x0  }
0x1d1: {  	[sflag:s0] =	ssyncadd.s32 @!p0 s1  }
0x1d2: {  	[bflag:$0x3] =	sbarrier.arrive $0xFFFF  }
0x1d3: {  	_ =	shalt  }

</sc_bundles>
